<compile_context>
chip_gen: v7x
topology: tpu7x:2x2x1
jax: 0.10.2.dev20260603
libtpu: 0.0.44.dev20260713+nightly
codegen_flags: <defaults>
</compile_context>

<pallas_src>
import functools

import numpy as np
import jax
import jax.numpy as jnp
from jax import lax
from jax.experimental import pallas as pl
from jax.experimental.pallas import tpu as pltpu
from jax.experimental.pallas import tpu_sc as plsc

_NDIM = 64
_NC, _NS = 2, 16
_NW = _NC * _NS


def _dft_w():
    m = np.arange(_NDIM)
    mk = np.outer(m, m)
    c = np.cos(2.0 * np.pi * mk / _NDIM)
    s = np.sin(2.0 * np.pi * mk / _NDIM)
    return np.concatenate([c, s], axis=1).astype(np.float32)


_W = _dft_w()


_CHUNK = 16384
_LOG2C = 14
_HALF = _CHUNK // 2


def _relayout_body(in_ref, out_ref):
    x = in_ref[...]
    xt = x.T
    out_ref[:, :_NDIM] = xt[:_HALF, :]
    out_ref[:, _NDIM:] = xt[_HALF:, :]


def _tc_relayout(table_t, *, interpret=False):
    n = table_t.shape[1]
    grid = (n + _CHUNK - 1) // _CHUNK
    return pl.pallas_call(
        _relayout_body,
        grid=(grid,),
        in_specs=[pl.BlockSpec((_NDIM, _CHUNK), lambda i: (0, i))],
        out_specs=pl.BlockSpec((_HALF, 2 * _NDIM), lambda i: (i, 0)),
        out_shape=jax.ShapeDtypeStruct((grid * _HALF, 2 * _NDIM), jnp.float32),
        interpret=interpret,
    )(table_t)


def _sc_gather(ent_lin, relation_table, s_idx, o_idx, r_idx):
    B = s_idx.shape[0]
    b_per_w = B // _NW
    mesh = plsc.VectorSubcoreMesh(core_axis_name="c", subcore_axis_name="s")

    @functools.partial(
        pl.kernel,
        mesh=mesh,
        compiler_params=pltpu.CompilerParams(use_tc_tiling_on_sc=False),
        out_type=(
            jax.ShapeDtypeStruct((B, _NDIM), jnp.float32),
            jax.ShapeDtypeStruct((B, _NDIM), jnp.float32),
            jax.ShapeDtypeStruct((B, _NDIM), jnp.float32),
        ),
        scratch_types=[
            pltpu.VMEM((b_per_w,), jnp.int32),
            pltpu.VMEM((b_per_w,), jnp.int32),
            pltpu.VMEM((b_per_w,), jnp.int32),
            pltpu.VMEM((b_per_w, _NDIM), jnp.float32),
            pltpu.VMEM((b_per_w, _NDIM), jnp.float32),
            pltpu.VMEM((b_per_w, _NDIM), jnp.float32),
            pltpu.SemaphoreType.DMA,
            pltpu.SemaphoreType.DMA,
            pltpu.SemaphoreType.DMA,
        ],
    )
    def k(ent_hbm, rel_hbm, s_hbm, o_hbm, r_hbm, es_out, eo_out, er_out,
          sidx_v, oidx_v, ridx_v, es_v, eo_v, er_v, sem_s, sem_o, sem_r):
        wid = lax.axis_index("s") * _NC + lax.axis_index("c")
        base = wid * b_per_w
        pltpu.sync_copy(s_hbm.at[pl.ds(base, b_per_w)], sidx_v)
        pltpu.sync_copy(o_hbm.at[pl.ds(base, b_per_w)], oidx_v)
        pltpu.sync_copy(r_hbm.at[pl.ds(base, b_per_w)], ridx_v)
        for g in range(b_per_w // 16):
            sl = pl.ds(g * 16, 16)
            for ref in (sidx_v, oidx_v):
                iv = ref[sl]
                ref[sl] = ((((iv >> _LOG2C) << (_LOG2C - 1)) +
                            (iv & (_HALF - 1))) * 2 + ((iv >> (_LOG2C - 1)) & 1))
        cp_s = pltpu.async_copy(ent_hbm.at[sidx_v], es_v, sem_s)
        cp_o = pltpu.async_copy(ent_hbm.at[oidx_v], eo_v, sem_o)
        cp_r = pltpu.async_copy(rel_hbm.at[ridx_v], er_v, sem_r)
        cp_s.wait()
        pltpu.sync_copy(es_v, es_out.at[pl.ds(base, b_per_w)])
        cp_o.wait()
        pltpu.sync_copy(eo_v, eo_out.at[pl.ds(base, b_per_w)])
        cp_r.wait()
        pltpu.sync_copy(er_v, er_out.at[pl.ds(base, b_per_w)])

    return k(ent_lin, relation_table, s_idx, o_idx, r_idx)


def _score_body(w_ref, es_ref, eo_ref, er_ref, out_ref):
    w = w_ref[...]
    hp = lax.Precision.HIGHEST
    a = jnp.dot(es_ref[...], w, precision=hp, preferred_element_type=jnp.float32)
    b = jnp.dot(eo_ref[...], w, precision=hp, preferred_element_type=jnp.float32)
    r = jnp.dot(er_ref[...], w, precision=hp, preferred_element_type=jnp.float32)
    ac, as_ = a[:, :_NDIM], a[:, _NDIM:]
    bc, bs = b[:, :_NDIM], b[:, _NDIM:]
    rc, rs = r[:, :_NDIM], r[:, _NDIM:]
    eta = jnp.sum(rc * (ac * bc + as_ * bs) - rs * (as_ * bc - ac * bs),
                  axis=-1) * (1.0 / _NDIM)
    out_ref[...] = jax.nn.sigmoid(eta)


def _tc_score(es, eo, er, *, interpret=False):
    B = es.shape[0]
    blk = 2048
    grid = B // blk
    return pl.pallas_call(
        _score_body,
        grid=(grid,),
        in_specs=[
            pl.BlockSpec((_NDIM, 2 * _NDIM), lambda i: (0, 0)),
            pl.BlockSpec((blk, _NDIM), lambda i: (i, 0)),
            pl.BlockSpec((blk, _NDIM), lambda i: (i, 0)),
            pl.BlockSpec((blk, _NDIM), lambda i: (i, 0)),
        ],
        out_specs=pl.BlockSpec((blk,), lambda i: (i,)),
        out_shape=jax.ShapeDtypeStruct((B,), jnp.float32),
        interpret=interpret,
    )(jnp.asarray(_W), es, eo, er)


def kernel(entity_table, relation_table, s_idx, o_idx, r_idx):
    ent_packed = _tc_relayout(entity_table.T)
    ent_lin = ent_packed.reshape(-1, _NDIM)
    es, eo, er = _sc_gather(ent_lin, relation_table, s_idx, o_idx, r_idx)
    return _tc_score(es, eo, er)

# --- scband reference (transcript-rebuilt; emitter-appended) ---
"""Pipeline reference for scband-hol-e-10179072491720 (READ-ONLY COPY).

The authoritative reference and input builder live on the scoring server;
editing this copy changes nothing except your own understanding.
"""

import jax, jax.numpy as jnp
import numpy as np

N_ENT = 1000000
N_REL = 1000
NDIM = 64
BATCH = 16384


def setup_inputs(seed: int = 0) -> dict:
    key = jax.random.key(seed)
    k1, k2, k3, k4, k5 = jax.random.split(key, 5)
    entity_table = jax.random.normal(k1, (N_ENT, NDIM), dtype=jnp.float32) * 0.1
    relation_table = jax.random.normal(k2, (N_REL, NDIM), dtype=jnp.float32) * 0.1
    s_idx = jax.random.randint(k3, (BATCH,), 0, N_ENT, dtype=jnp.int32)
    o_idx = jax.random.randint(k4, (BATCH,), 0, N_ENT, dtype=jnp.int32)
    r_idx = jax.random.randint(k5, (BATCH,), 0, N_REL, dtype=jnp.int32)
    return {
        "entity_table": entity_table,
        "relation_table": relation_table,
        "s_idx": s_idx,
        "o_idx": o_idx,
        "r_idx": r_idx,
    }


def _ccorr(a, b, n):
    # circular correlation via FFT: corr(a, b) = ifft(conj(fft(a)) * fft(b))
    fa = jnp.fft.rfft(a, n=n, axis=-1)
    fb = jnp.fft.rfft(b, n=n, axis=-1)
    return jnp.fft.irfft(jnp.conj(fa) * fb, n=n, axis=-1)


def reference(entity_table, relation_table, s_idx, o_idx, r_idx):
    # HolE scoring: eta = r^T (e_s \star e_o); prob = sigmoid(eta)
    e_s = jnp.take(entity_table, s_idx, axis=0)   # [B, d] gather
    e_o = jnp.take(entity_table, o_idx, axis=0)   # [B, d] gather
    e_r = jnp.take(relation_table, r_idx, axis=0) # [B, d] gather
    cc = _ccorr(e_s, e_o, NDIM)                   # [B, d]
    eta = jnp.sum(e_r * cc, axis=-1)              # [B]
    return jax.nn.sigmoid(eta)

if __name__ == "__main__":
    import jax
    _d = setup_inputs()
    print(jax.jit(kernel)(*tuple(_d.values())))

</pallas_src>

<mosaic_0001>
#map = affine_map<(d0, d1) -> (0, 0)>
#map1 = affine_map<(d0, d1) -> (0)>
module attributes {stable_mosaic.version = 14 : i64} {
  func.func @k(%arg0: i32, %arg1: i32, %arg2: memref<1015808x64xf32, #tpu.memory_space<hbm>>, %arg3: memref<1000x64xf32, #tpu.memory_space<hbm>>, %arg4: memref<16384xi32, #tpu.memory_space<hbm>>, %arg5: memref<16384xi32, #tpu.memory_space<hbm>>, %arg6: memref<16384xi32, #tpu.memory_space<hbm>>, %arg7: memref<16384x64xf32, #tpu.memory_space<hbm>>, %arg8: memref<16384x64xf32, #tpu.memory_space<hbm>>, %arg9: memref<16384x64xf32, #tpu.memory_space<hbm>>, %arg10: memref<512xi32, #tpu.memory_space<vmem>>, %arg11: memref<512xi32, #tpu.memory_space<vmem>>, %arg12: memref<512xi32, #tpu.memory_space<vmem>>, %arg13: memref<512x64xf32, #tpu.memory_space<vmem>>, %arg14: memref<512x64xf32, #tpu.memory_space<vmem>>, %arg15: memref<512x64xf32, #tpu.memory_space<vmem>>, %arg16: memref<!tpu.dma_semaphore, #tpu.memory_space<semaphore_mem>>, %arg17: memref<!tpu.dma_semaphore, #tpu.memory_space<semaphore_mem>>, %arg18: memref<!tpu.dma_semaphore, #tpu.memory_space<semaphore_mem>>) attributes {dimension_semantics = [#tpu.dimension_semantics<core_parallel>, #tpu.dimension_semantics<subcore_parallel>], iteration_bounds = array<i64: 2, 16>, scalar_prefetch = 0 : i64, scratch_operands = 9 : i64, tpu.core_type = #tpu.core_type<sc_vector_subcore>, window_params = [{transform_indices = #map}, {transform_indices = #map}, {transform_indices = #map1}, {transform_indices = #map1}, {transform_indices = #map1}, {transform_indices = #map}, {transform_indices = #map}, {transform_indices = #map}]} {
    %mul3A = arith.constant 2 : i32
    %mul3A_0 = arith.muli %arg1, %mul3A : i32
    %add3A = arith.addi %mul3A_0, %arg0 : i32
    %mul3A_1 = arith.constant 512 : i32
    %mul3A_2 = arith.muli %add3A, %mul3A_1 : i32
    "tpu.region"() ({
      %run_scoped3A = tpu.sem_alloc : memref<!tpu.dma_semaphore, #tpu.memory_space<semaphore_mem>>
      %dma_start3A_1742 = tpu.memref_slice %arg4[%mul3A_2] : memref<16384xi32, #tpu.memory_space<hbm>> -> memref<512xi32, #tpu.memory_space<hbm>>
      %dma_start3A_1743 = tpu.memref_slice %arg4[%mul3A_2] : memref<16384xi32, #tpu.memory_space<hbm>> -> memref<512xi32, #tpu.memory_space<hbm>>
      tpu.enqueue_dma source(%dma_start3A_1743 : memref<512xi32, #tpu.memory_space<hbm>>) target(%arg10 : memref<512xi32, #tpu.memory_space<vmem>>) target_semaphore(%run_scoped3A : memref<!tpu.dma_semaphore, #tpu.memory_space<semaphore_mem>>)
      %dma_wait3A_1744 = tpu.memref_slice %arg4[%mul3A_2] : memref<16384xi32, #tpu.memory_space<hbm>> -> memref<512xi32, #tpu.memory_space<hbm>>
      %dma_wait3A_1745 = tpu.memref_slice %arg4[%mul3A_2] : memref<16384xi32, #tpu.memory_space<hbm>> -> memref<512xi32, #tpu.memory_space<hbm>>
      tpu.wait_dma2 semaphore(%run_scoped3A : memref<!tpu.dma_semaphore, #tpu.memory_space<semaphore_mem>>) src(%dma_wait3A_1745 : memref<512xi32, #tpu.memory_space<hbm>>) dst(%arg10 : memref<512xi32, #tpu.memory_space<vmem>>)
      tpu.yield
    }) : () -> ()
    "tpu.region"() ({
      %run_scoped3A = tpu.sem_alloc : memref<!tpu.dma_semaphore, #tpu.memory_space<semaphore_mem>>
      %dma_start3A_1742 = tpu.memref_slice %arg5[%mul3A_2] : memref<16384xi32, #tpu.memory_space<hbm>> -> memref<512xi32, #tpu.memory_space<hbm>>
      %dma_start3A_1743 = tpu.memref_slice %arg5[%mul3A_2] : memref<16384xi32, #tpu.memory_space<hbm>> -> memref<512xi32, #tpu.memory_space<hbm>>
      tpu.enqueue_dma source(%dma_start3A_1743 : memref<512xi32, #tpu.memory_space<hbm>>) target(%arg11 : memref<512xi32, #tpu.memory_space<vmem>>) target_semaphore(%run_scoped3A : memref<!tpu.dma_semaphore, #tpu.memory_space<semaphore_mem>>)
      %dma_wait3A_1744 = tpu.memref_slice %arg5[%mul3A_2] : memref<16384xi32, #tpu.memory_space<hbm>> -> memref<512xi32, #tpu.memory_space<hbm>>
      %dma_wait3A_1745 = tpu.memref_slice %arg5[%mul3A_2] : memref<16384xi32, #tpu.memory_space<hbm>> -> memref<512xi32, #tpu.memory_space<hbm>>
      tpu.wait_dma2 semaphore(%run_scoped3A : memref<!tpu.dma_semaphore, #tpu.memory_space<semaphore_mem>>) src(%dma_wait3A_1745 : memref<512xi32, #tpu.memory_space<hbm>>) dst(%arg11 : memref<512xi32, #tpu.memory_space<vmem>>)
      tpu.yield
    }) : () -> ()
    "tpu.region"() ({
      %run_scoped3A = tpu.sem_alloc : memref<!tpu.dma_semaphore, #tpu.memory_space<semaphore_mem>>
      %dma_start3A_1742 = tpu.memref_slice %arg6[%mul3A_2] : memref<16384xi32, #tpu.memory_space<hbm>> -> memref<512xi32, #tpu.memory_space<hbm>>
      %dma_start3A_1743 = tpu.memref_slice %arg6[%mul3A_2] : memref<16384xi32, #tpu.memory_space<hbm>> -> memref<512xi32, #tpu.memory_space<hbm>>
      tpu.enqueue_dma source(%dma_start3A_1743 : memref<512xi32, #tpu.memory_space<hbm>>) target(%arg12 : memref<512xi32, #tpu.memory_space<vmem>>) target_semaphore(%run_scoped3A : memref<!tpu.dma_semaphore, #tpu.memory_space<semaphore_mem>>)
      %dma_wait3A_1744 = tpu.memref_slice %arg6[%mul3A_2] : memref<16384xi32, #tpu.memory_space<hbm>> -> memref<512xi32, #tpu.memory_space<hbm>>
      %dma_wait3A_1745 = tpu.memref_slice %arg6[%mul3A_2] : memref<16384xi32, #tpu.memory_space<hbm>> -> memref<512xi32, #tpu.memory_space<hbm>>
      tpu.wait_dma2 semaphore(%run_scoped3A : memref<!tpu.dma_semaphore, #tpu.memory_space<semaphore_mem>>) src(%dma_wait3A_1745 : memref<512xi32, #tpu.memory_space<hbm>>) dst(%arg12 : memref<512xi32, #tpu.memory_space<vmem>>)
      tpu.yield
    }) : () -> ()
    %get3A = arith.constant 0 : index
    %get3A_3 = tpu.vector_load %arg10[%get3A] {strides = array<i32>} : memref<512xi32, #tpu.memory_space<vmem>>, vector<16xi32>,
    %get3A_4 = vector.shape_cast %get3A_3 : vector<16xi32> to vector<16xi32>
    %shift_right_arithmetic3A = arith.constant 14 : i32
    %shift_right_arithmetic3A_5 = vector.broadcast %shift_right_arithmetic3A : i32 to vector<16xi32>
    %shift_right_arithmetic3A_6 = arith.shrsi %get3A_4, %shift_right_arithmetic3A_5 : vector<16xi32>
    %shift_left3A = arith.constant 13 : i32
    %shift_left3A_7 = vector.broadcast %shift_left3A : i32 to vector<16xi32>
    %shift_left3A_8 = arith.shli %shift_right_arithmetic3A_6, %shift_left3A_7 : vector<16xi32>
    %and3A = arith.constant 8191 : i32
    %and3A_9 = vector.broadcast %and3A : i32 to vector<16xi32>
    %and3A_10 = arith.andi %get3A_4, %and3A_9 : vector<16xi32>
    %add3A_11 = arith.addi %shift_left3A_8, %and3A_10 : vector<16xi32>
    %mul3A_12 = arith.constant 2 : i32
    %mul3A_13 = vector.broadcast %mul3A_12 : i32 to vector<16xi32>
    %mul3A_14 = arith.muli %add3A_11, %mul3A_13 : vector<16xi32>
    %shift_right_arithmetic3A_15 = arith.constant 13 : i32
    %shift_right_arithmetic3A_16 = vector.broadcast %shift_right_arithmetic3A_15 : i32 to vector<16xi32>
    %shift_right_arithmetic3A_17 = arith.shrsi %get3A_4, %shift_right_arithmetic3A_16 : vector<16xi32>
    %and3A_18 = arith.constant 1 : i32
    %and3A_19 = vector.broadcast %and3A_18 : i32 to vector<16xi32>
    %and3A_20 = arith.andi %shift_right_arithmetic3A_17, %and3A_19 : vector<16xi32>
    %add3A_21 = arith.addi %mul3A_14, %and3A_20 : vector<16xi32>
    %swap3A = arith.constant 0 : index
    %swap3A_22 = tpu.vector_load %arg10[%swap3A] {strides = array<i32>} : memref<512xi32, #tpu.memory_space<vmem>>, vector<16xi32>,
    %swap3A_23 = vector.shape_cast %swap3A_22 : vector<16xi32> to vector<16xi32>
    %swap3A_24 = vector.shape_cast %add3A_21 : vector<16xi32> to vector<16xi32>
    tpu.vector_store %arg10[%swap3A], %swap3A_24 {strides = array<i32>} : memref<512xi32, #tpu.memory_space<vmem>>, vector<16xi32>,
    %get3A_25 = arith.constant 0 : index
    %get3A_26 = tpu.vector_load %arg11[%get3A_25] {strides = array<i32>} : memref<512xi32, #tpu.memory_space<vmem>>, vector<16xi32>,
    %get3A_27 = vector.shape_cast %get3A_26 : vector<16xi32> to vector<16xi32>
    %shift_right_arithmetic3A_28 = arith.constant 14 : i32
    %shift_right_arithmetic3A_29 = vector.broadcast %shift_right_arithmetic3A_28 : i32 to vector<16xi32>
    %shift_right_arithmetic3A_30 = arith.shrsi %get3A_27, %shift_right_arithmetic3A_29 : vector<16xi32>
    %shift_left3A_31 = arith.constant 13 : i32
    %shift_left3A_32 = vector.broadcast %shift_left3A_31 : i32 to vector<16xi32>
    %shift_left3A_33 = arith.shli %shift_right_arithmetic3A_30, %shift_left3A_32 : vector<16xi32>
    %and3A_34 = arith.constant 8191 : i32
    %and3A_35 = vector.broadcast %and3A_34 : i32 to vector<16xi32>
    %and3A_36 = arith.andi %get3A_27, %and3A_35 : vector<16xi32>
    %add3A_37 = arith.addi %shift_left3A_33, %and3A_36 : vector<16xi32>
    %mul3A_38 = arith.constant 2 : i32
    %mul3A_39 = vector.broadcast %mul3A_38 : i32 to vector<16xi32>
    %mul3A_40 = arith.muli %add3A_37, %mul3A_39 : vector<16xi32>
    %shift_right_arithmetic3A_41 = arith.constant 13 : i32
    %shift_right_arithmetic3A_42 = vector.broadcast %shift_right_arithmetic3A_41 : i32 to vector<16xi32>
    %shift_right_arithmetic3A_43 = arith.shrsi %get3A_27, %shift_right_arithmetic3A_42 : vector<16xi32>
    %and3A_44 = arith.constant 1 : i32
    %and3A_45 = vector.broadcast %and3A_44 : i32 to vector<16xi32>
    %and3A_46 = arith.andi %shift_right_arithmetic3A_43, %and3A_45 : vector<16xi32>
    %add3A_47 = arith.addi %mul3A_40, %and3A_46 : vector<16xi32>
    %swap3A_48 = arith.constant 0 : index
    %swap3A_49 = tpu.vector_load %arg11[%swap3A_48] {strides = array<i32>} : memref<512xi32, #tpu.memory_space<vmem>>, vector<16xi32>,
    %swap3A_50 = vector.shape_cast %swap3A_49 : vector<16xi32> to vector<16xi32>
    %swap3A_51 = vector.shape_cast %add3A_47 : vector<16xi32> to vector<16xi32>
    tpu.vector_store %arg11[%swap3A_48], %swap3A_51 {strides = array<i32>} : memref<512xi32, #tpu.memory_space<vmem>>, vector<16xi32>,
    %get3A_52 = arith.constant 16 : index
    %get3A_53 = tpu.vector_load %arg10[%get3A_52] {strides = array<i32>} : memref<512xi32, #tpu.memory_space<vmem>>, vector<16xi32>,
    %get3A_54 = vector.shape_cast %get3A_53 : vector<16xi32> to vector<16xi32>
    %shift_right_arithmetic3A_55 = arith.constant 14 : i32
    %shift_right_arithmetic3A_56 = vector.broadcast %shift_right_arithmetic3A_55 : i32 to vector<16xi32>
    %shift_right_arithmetic3A_57 = arith.shrsi %get3A_54, %shift_right_arithmetic3A_56 : vector<16xi32>
    %shift_left3A_58 = arith.constant 13 : i32
    %shift_left3A_59 = vector.broadcast %shift_left3A_58 : i32 to vector<16xi32>
    %shift_left3A_60 = arith.shli %shift_right_arithmetic3A_57, %shift_left3A_59 : vector<16xi32>
    %and3A_61 = arith.constant 8191 : i32
    %and3A_62 = vector.broadcast %and3A_61 : i32 to vector<16xi32>
    %and3A_63 = arith.andi %get3A_54, %and3A_62 : vector<16xi32>
    %add3A_64 = arith.addi %shift_left3A_60, %and3A_63 : vector<16xi32>
    %mul3A_65 = arith.constant 2 : i32
    %mul3A_66 = vector.broadcast %mul3A_65 : i32 to vector<16xi32>
    %mul3A_67 = arith.muli %add3A_64, %mul3A_66 : vector<16xi32>
    %shift_right_arithmetic3A_68 = arith.constant 13 : i32
    %shift_right_arithmetic3A_69 = vector.broadcast %shift_right_arithmetic3A_68 : i32 to vector<16xi32>
    %shift_right_arithmetic3A_70 = arith.shrsi %get3A_54, %shift_right_arithmetic3A_69 : vector<16xi32>
    %and3A_71 = arith.constant 1 : i32
    %and3A_72 = vector.broadcast %and3A_71 : i32 to vector<16xi32>
    %and3A_73 = arith.andi %shift_right_arithmetic3A_70, %and3A_72 : vector<16xi32>
    %add3A_74 = arith.addi %mul3A_67, %and3A_73 : vector<16xi32>
    %swap3A_75 = arith.constant 16 : index
    %swap3A_76 = tpu.vector_load %arg10[%swap3A_75] {strides = array<i32>} : memref<512xi32, #tpu.memory_space<vmem>>, vector<16xi32>,
    %swap3A_77 = vector.shape_cast %swap3A_76 : vector<16xi32> to vector<16xi32>
    %swap3A_78 = vector.shape_cast %add3A_74 : vector<16xi32> to vector<16xi32>
    tpu.vector_store %arg10[%swap3A_75], %swap3A_78 {strides = array<i32>} : memref<512xi32, #tpu.memory_space<vmem>>, vector<16xi32>,
    %get3A_79 = arith.constant 16 : index
    %get3A_80 = tpu.vector_load %arg11[%get3A_79] {strides = array<i32>} : memref<512xi32, #tpu.memory_space<vmem>>, vector<16xi32>,
    %get3A_81 = vector.shape_cast %get3A_80 : vector<16xi32> to vector<16xi32>
    %shift_right_arithmetic3A_82 = arith.constant 14 : i32
    %shift_right_arithmetic3A_83 = vector.broadcast %shift_right_arithmetic3A_82 : i32 to vector<16xi32>
    %shift_right_arithmetic3A_84 = arith.shrsi %get3A_81, %shift_right_arithmetic3A_83 : vector<16xi32>
    %shift_left3A_85 = arith.constant 13 : i32
    %shift_left3A_86 = vector.broadcast %shift_left3A_85 : i32 to vector<16xi32>
    %shift_left3A_87 = arith.shli %shift_right_arithmetic3A_84, %shift_left3A_86 : vector<16xi32>
    %and3A_88 = arith.constant 8191 : i32
    %and3A_89 = vector.broadcast %and3A_88 : i32 to vector<16xi32>
    %and3A_90 = arith.andi %get3A_81, %and3A_89 : vector<16xi32>
    %add3A_91 = arith.addi %shift_left3A_87, %and3A_90 : vector<16xi32>
    %mul3A_92 = arith.constant 2 : i32
    %mul3A_93 = vector.broadcast %mul3A_92 : i32 to vector<16xi32>
    %mul3A_94 = arith.muli %add3A_91, %mul3A_93 : vector<16xi32>
    %shift_right_arithmetic3A_95 = arith.constant 13 : i32
    %shift_right_arithmetic3A_96 = vector.broadcast %shift_right_arithmetic3A_95 : i32 to vector<16xi32>
    %shift_right_arithmetic3A_97 = arith.shrsi %get3A_81, %shift_right_arithmetic3A_96 : vector<16xi32>
    %and3A_98 = arith.constant 1 : i32
    %and3A_99 = vector.broadcast %and3A_98 : i32 to vector<16xi32>
    %and3A_100 = arith.andi %shift_right_arithmetic3A_97, %and3A_99 : vector<16xi32>
    %add3A_101 = arith.addi %mul3A_94, %and3A_100 : vector<16xi32>
    %swap3A_102 = arith.constant 16 : index
    %swap3A_103 = tpu.vector_load %arg11[%swap3A_102] {strides = array<i32>} : memref<512xi32, #tpu.memory_space<vmem>>, vector<16xi32>,
    %swap3A_104 = vector.shape_cast %swap3A_103 : vector<16xi32> to vector<16xi32>
    %swap3A_105 = vector.shape_cast %add3A_101 : vector<16xi32> to vector<16xi32>
    tpu.vector_store %arg11[%swap3A_102], %swap3A_105 {strides = array<i32>} : memref<512xi32, #tpu.memory_space<vmem>>, vector<16xi32>,
    %get3A_106 = arith.constant 32 : index
    %get3A_107 = tpu.vector_load %arg10[%get3A_106] {strides = array<i32>} : memref<512xi32, #tpu.memory_space<vmem>>, vector<16xi32>,
    %get3A_108 = vector.shape_cast %get3A_107 : vector<16xi32> to vector<16xi32>
    %shift_right_arithmetic3A_109 = arith.constant 14 : i32
    %shift_right_arithmetic3A_110 = vector.broadcast %shift_right_arithmetic3A_109 : i32 to vector<16xi32>
    %shift_right_arithmetic3A_111 = arith.shrsi %get3A_108, %shift_right_arithmetic3A_110 : vector<16xi32>
    %shift_left3A_112 = arith.constant 13 : i32
    %shift_left3A_113 = vector.broadcast %shift_left3A_112 : i32 to vector<16xi32>
    %shift_left3A_114 = arith.shli %shift_right_arithmetic3A_111, %shift_left3A_113 : vector<16xi32>
    %and3A_115 = arith.constant 8191 : i32
    %and3A_116 = vector.broadcast %and3A_115 : i32 to vector<16xi32>
    %and3A_117 = arith.andi %get3A_108, %and3A_116 : vector<16xi32>
    %add3A_118 = arith.addi %shift_left3A_114, %and3A_117 : vector<16xi32>
    %mul3A_119 = arith.constant 2 : i32
    %mul3A_120 = vector.broadcast %mul3A_119 : i32 to vector<16xi32>
    %mul3A_121 = arith.muli %add3A_118, %mul3A_120 : vector<16xi32>
    %shift_right_arithmetic3A_122 = arith.constant 13 : i32
    %shift_right_arithmetic3A_123 = vector.broadcast %shift_right_arithmetic3A_122 : i32 to vector<16xi32>
    %shift_right_arithmetic3A_124 = arith.shrsi %get3A_108, %shift_right_arithmetic3A_123 : vector<16xi32>
    %and3A_125 = arith.constant 1 : i32
    %and3A_126 = vector.broadcast %and3A_125 : i32 to vector<16xi32>
    %and3A_127 = arith.andi %shift_right_arithmetic3A_124, %and3A_126 : vector<16xi32>
    %add3A_128 = arith.addi %mul3A_121, %and3A_127 : vector<16xi32>
    %swap3A_129 = arith.constant 32 : index
    %swap3A_130 = tpu.vector_load %arg10[%swap3A_129] {strides = array<i32>} : memref<512xi32, #tpu.memory_space<vmem>>, vector<16xi32>,
    %swap3A_131 = vector.shape_cast %swap3A_130 : vector<16xi32> to vector<16xi32>
    %swap3A_132 = vector.shape_cast %add3A_128 : vector<16xi32> to vector<16xi32>
    tpu.vector_store %arg10[%swap3A_129], %swap3A_132 {strides = array<i32>} : memref<512xi32, #tpu.memory_space<vmem>>, vector<16xi32>,
    %get3A_133 = arith.constant 32 : index
    %get3A_134 = tpu.vector_load %arg11[%get3A_133] {strides = array<i32>} : memref<512xi32, #tpu.memory_space<vmem>>, vector<16xi32>,
    %get3A_135 = vector.shape_cast %get3A_134 : vector<16xi32> to vector<16xi32>
    %shift_right_arithmetic3A_136 = arith.constant 14 : i32
    %shift_right_arithmetic3A_137 = vector.broadcast %shift_right_arithmetic3A_136 : i32 to vector<16xi32>
    %shift_right_arithmetic3A_138 = arith.shrsi %get3A_135, %shift_right_arithmetic3A_137 : vector<16xi32>
    %shift_left3A_139 = arith.constant 13 : i32
    %shift_left3A_140 = vector.broadcast %shift_left3A_139 : i32 to vector<16xi32>
    %shift_left3A_141 = arith.shli %shift_right_arithmetic3A_138, %shift_left3A_140 : vector<16xi32>
    %and3A_142 = arith.constant 8191 : i32
    %and3A_143 = vector.broadcast %and3A_142 : i32 to vector<16xi32>
    %and3A_144 = arith.andi %get3A_135, %and3A_143 : vector<16xi32>
    %add3A_145 = arith.addi %shift_left3A_141, %and3A_144 : vector<16xi32>
    %mul3A_146 = arith.constant 2 : i32
    %mul3A_147 = vector.broadcast %mul3A_146 : i32 to vector<16xi32>
    %mul3A_148 = arith.muli %add3A_145, %mul3A_147 : vector<16xi32>
    %shift_right_arithmetic3A_149 = arith.constant 13 : i32
    %shift_right_arithmetic3A_150 = vector.broadcast %shift_right_arithmetic3A_149 : i32 to vector<16xi32>
    %shift_right_arithmetic3A_151 = arith.shrsi %get3A_135, %shift_right_arithmetic3A_150 : vector<16xi32>
    %and3A_152 = arith.constant 1 : i32
    %and3A_153 = vector.broadcast %and3A_152 : i32 to vector<16xi32>
    %and3A_154 = arith.andi %shift_right_arithmetic3A_151, %and3A_153 : vector<16xi32>
    %add3A_155 = arith.addi %mul3A_148, %and3A_154 : vector<16xi32>
    %swap3A_156 = arith.constant 32 : index
    %swap3A_157 = tpu.vector_load %arg11[%swap3A_156] {strides = array<i32>} : memref<512xi32, #tpu.memory_space<vmem>>, vector<16xi32>,
    %swap3A_158 = vector.shape_cast %swap3A_157 : vector<16xi32> to vector<16xi32>
    %swap3A_159 = vector.shape_cast %add3A_155 : vector<16xi32> to vector<16xi32>
    tpu.vector_store %arg11[%swap3A_156], %swap3A_159 {strides = array<i32>} : memref<512xi32, #tpu.memory_space<vmem>>, vector<16xi32>,
    %get3A_160 = arith.constant 48 : index
    %get3A_161 = tpu.vector_load %arg10[%get3A_160] {strides = array<i32>} : memref<512xi32, #tpu.memory_space<vmem>>, vector<16xi32>,
    %get3A_162 = vector.shape_cast %get3A_161 : vector<16xi32> to vector<16xi32>
    %shift_right_arithmetic3A_163 = arith.constant 14 : i32
    %shift_right_arithmetic3A_164 = vector.broadcast %shift_right_arithmetic3A_163 : i32 to vector<16xi32>
    %shift_right_arithmetic3A_165 = arith.shrsi %get3A_162, %shift_right_arithmetic3A_164 : vector<16xi32>
    %shift_left3A_166 = arith.constant 13 : i32
    %shift_left3A_167 = vector.broadcast %shift_left3A_166 : i32 to vector<16xi32>
    %shift_left3A_168 = arith.shli %shift_right_arithmetic3A_165, %shift_left3A_167 : vector<16xi32>
    %and3A_169 = arith.constant 8191 : i32
    %and3A_170 = vector.broadcast %and3A_169 : i32 to vector<16xi32>
    %and3A_171 = arith.andi %get3A_162, %and3A_170 : vector<16xi32>
    %add3A_172 = arith.addi %shift_left3A_168, %and3A_171 : vector<16xi32>
    %mul3A_173 = arith.constant 2 : i32
    %mul3A_174 = vector.broadcast %mul3A_173 : i32 to vector<16xi32>
    %mul3A_175 = arith.muli %add3A_172, %mul3A_174 : vector<16xi32>
    %shift_right_arithmetic3A_176 = arith.constant 13 : i32
    %shift_right_arithmetic3A_177 = vector.broadcast %shift_right_arithmetic3A_176 : i32 to vector<16xi32>
    %shift_right_arithmetic3A_178 = arith.shrsi %get3A_162, %shift_right_arithmetic3A_177 : vector<16xi32>
    %and3A_179 = arith.constant 1 : i32
    %and3A_180 = vector.broadcast %and3A_179 : i32 to vector<16xi32>
    %and3A_181 = arith.andi %shift_right_arithmetic3A_178, %and3A_180 : vector<16xi32>
    %add3A_182 = arith.addi %mul3A_175, %and3A_181 : vector<16xi32>
    %swap3A_183 = arith.constant 48 : index
    %swap3A_184 = tpu.vector_load %arg10[%swap3A_183] {strides = array<i32>} : memref<512xi32, #tpu.memory_space<vmem>>, vector<16xi32>,
    %swap3A_185 = vector.shape_cast %swap3A_184 : vector<16xi32> to vector<16xi32>
    %swap3A_186 = vector.shape_cast %add3A_182 : vector<16xi32> to vector<16xi32>
    tpu.vector_store %arg10[%swap3A_183], %swap3A_186 {strides = array<i32>} : memref<512xi32, #tpu.memory_space<vmem>>, vector<16xi32>,
    %get3A_187 = arith.constant 48 : index
    %get3A_188 = tpu.vector_load %arg11[%get3A_187] {strides = array<i32>} : memref<512xi32, #tpu.memory_space<vmem>>, vector<16xi32>,
    %get3A_189 = vector.shape_cast %get3A_188 : vector<16xi32> to vector<16xi32>
    %shift_right_arithmetic3A_190 = arith.constant 14 : i32
    %shift_right_arithmetic3A_191 = vector.broadcast %shift_right_arithmetic3A_190 : i32 to vector<16xi32>
    %shift_right_arithmetic3A_192 = arith.shrsi %get3A_189, %shift_right_arithmetic3A_191 : vector<16xi32>
    %shift_left3A_193 = arith.constant 13 : i32
    %shift_left3A_194 = vector.broadcast %shift_left3A_193 : i32 to vector<16xi32>
    %shift_left3A_195 = arith.shli %shift_right_arithmetic3A_192, %shift_left3A_194 : vector<16xi32>
    %and3A_196 = arith.constant 8191 : i32
    %and3A_197 = vector.broadcast %and3A_196 : i32 to vector<16xi32>
    %and3A_198 = arith.andi %get3A_189, %and3A_197 : vector<16xi32>
    %add3A_199 = arith.addi %shift_left3A_195, %and3A_198 : vector<16xi32>
    %mul3A_200 = arith.constant 2 : i32
    %mul3A_201 = vector.broadcast %mul3A_200 : i32 to vector<16xi32>
    %mul3A_202 = arith.muli %add3A_199, %mul3A_201 : vector<16xi32>
    %shift_right_arithmetic3A_203 = arith.constant 13 : i32
    %shift_right_arithmetic3A_204 = vector.broadcast %shift_right_arithmetic3A_203 : i32 to vector<16xi32>
    %shift_right_arithmetic3A_205 = arith.shrsi %get3A_189, %shift_right_arithmetic3A_204 : vector<16xi32>
    %and3A_206 = arith.constant 1 : i32
    %and3A_207 = vector.broadcast %and3A_206 : i32 to vector<16xi32>
    %and3A_208 = arith.andi %shift_right_arithmetic3A_205, %and3A_207 : vector<16xi32>
    %add3A_209 = arith.addi %mul3A_202, %and3A_208 : vector<16xi32>
    %swap3A_210 = arith.constant 48 : index
    %swap3A_211 = tpu.vector_load %arg11[%swap3A_210] {strides = array<i32>} : memref<512xi32, #tpu.memory_space<vmem>>, vector<16xi32>,
    %swap3A_212 = vector.shape_cast %swap3A_211 : vector<16xi32> to vector<16xi32>
    %swap3A_213 = vector.shape_cast %add3A_209 : vector<16xi32> to vector<16xi32>
    tpu.vector_store %arg11[%swap3A_210], %swap3A_213 {strides = array<i32>} : memref<512xi32, #tpu.memory_space<vmem>>, vector<16xi32>,
    %get3A_214 = arith.constant 64 : index
    %get3A_215 = tpu.vector_load %arg10[%get3A_214] {strides = array<i32>} : memref<512xi32, #tpu.memory_space<vmem>>, vector<16xi32>,
    %get3A_216 = vector.shape_cast %get3A_215 : vector<16xi32> to vector<16xi32>
    %shift_right_arithmetic3A_217 = arith.constant 14 : i32
    %shift_right_arithmetic3A_218 = vector.broadcast %shift_right_arithmetic3A_217 : i32 to vector<16xi32>
    %shift_right_arithmetic3A_219 = arith.shrsi %get3A_216, %shift_right_arithmetic3A_218 : vector<16xi32>
    %shift_left3A_220 = arith.constant 13 : i32
    %shift_left3A_221 = vector.broadcast %shift_left3A_220 : i32 to vector<16xi32>
    %shift_left3A_222 = arith.shli %shift_right_arithmetic3A_219, %shift_left3A_221 : vector<16xi32>
    %and3A_223 = arith.constant 8191 : i32
    %and3A_224 = vector.broadcast %and3A_223 : i32 to vector<16xi32>
    %and3A_225 = arith.andi %get3A_216, %and3A_224 : vector<16xi32>
    %add3A_226 = arith.addi %shift_left3A_222, %and3A_225 : vector<16xi32>
    %mul3A_227 = arith.constant 2 : i32
    %mul3A_228 = vector.broadcast %mul3A_227 : i32 to vector<16xi32>
    %mul3A_229 = arith.muli %add3A_226, %mul3A_228 : vector<16xi32>
    %shift_right_arithmetic3A_230 = arith.constant 13 : i32
    %shift_right_arithmetic3A_231 = vector.broadcast %shift_right_arithmetic3A_230 : i32 to vector<16xi32>
    %shift_right_arithmetic3A_232 = arith.shrsi %get3A_216, %shift_right_arithmetic3A_231 : vector<16xi32>
    %and3A_233 = arith.constant 1 : i32
    %and3A_234 = vector.broadcast %and3A_233 : i32 to vector<16xi32>
    %and3A_235 = arith.andi %shift_right_arithmetic3A_232, %and3A_234 : vector<16xi32>
    %add3A_236 = arith.addi %mul3A_229, %and3A_235 : vector<16xi32>
    %swap3A_237 = arith.constant 64 : index
    %swap3A_238 = tpu.vector_load %arg10[%swap3A_237] {strides = array<i32>} : memref<512xi32, #tpu.memory_space<vmem>>, vector<16xi32>,
    %swap3A_239 = vector.shape_cast %swap3A_238 : vector<16xi32> to vector<16xi32>
    %swap3A_240 = vector.shape_cast %add3A_236 : vector<16xi32> to vector<16xi32>
    tpu.vector_store %arg10[%swap3A_237], %swap3A_240 {strides = array<i32>} : memref<512xi32, #tpu.memory_space<vmem>>, vector<16xi32>,
    %get3A_241 = arith.constant 64 : index
    %get3A_242 = tpu.vector_load %arg11[%get3A_241] {strides = array<i32>} : memref<512xi32, #tpu.memory_space<vmem>>, vector<16xi32>,
    %get3A_243 = vector.shape_cast %get3A_242 : vector<16xi32> to vector<16xi32>
    %shift_right_arithmetic3A_244 = arith.constant 14 : i32
    %shift_right_arithmetic3A_245 = vector.broadcast %shift_right_arithmetic3A_244 : i32 to vector<16xi32>
    %shift_right_arithmetic3A_246 = arith.shrsi %get3A_243, %shift_right_arithmetic3A_245 : vector<16xi32>
    %shift_left3A_247 = arith.constant 13 : i32
    %shift_left3A_248 = vector.broadcast %shift_left3A_247 : i32 to vector<16xi32>
    %shift_left3A_249 = arith.shli %shift_right_arithmetic3A_246, %shift_left3A_248 : vector<16xi32>
    %and3A_250 = arith.constant 8191 : i32
    %and3A_251 = vector.broadcast %and3A_250 : i32 to vector<16xi32>
    %and3A_252 = arith.andi %get3A_243, %and3A_251 : vector<16xi32>
    %add3A_253 = arith.addi %shift_left3A_249, %and3A_252 : vector<16xi32>
    %mul3A_254 = arith.constant 2 : i32
    %mul3A_255 = vector.broadcast %mul3A_254 : i32 to vector<16xi32>
    %mul3A_256 = arith.muli %add3A_253, %mul3A_255 : vector<16xi32>
    %shift_right_arithmetic3A_257 = arith.constant 13 : i32
    %shift_right_arithmetic3A_258 = vector.broadcast %shift_right_arithmetic3A_257 : i32 to vector<16xi32>
    %shift_right_arithmetic3A_259 = arith.shrsi %get3A_243, %shift_right_arithmetic3A_258 : vector<16xi32>
    %and3A_260 = arith.constant 1 : i32
    %and3A_261 = vector.broadcast %and3A_260 : i32 to vector<16xi32>
    %and3A_262 = arith.andi %shift_right_arithmetic3A_259, %and3A_261 : vector<16xi32>
    %add3A_263 = arith.addi %mul3A_256, %and3A_262 : vector<16xi32>
    %swap3A_264 = arith.constant 64 : index
    %swap3A_265 = tpu.vector_load %arg11[%swap3A_264] {strides = array<i32>} : memref<512xi32, #tpu.memory_space<vmem>>, vector<16xi32>,
    %swap3A_266 = vector.shape_cast %swap3A_265 : vector<16xi32> to vector<16xi32>
    %swap3A_267 = vector.shape_cast %add3A_263 : vector<16xi32> to vector<16xi32>
    tpu.vector_store %arg11[%swap3A_264], %swap3A_267 {strides = array<i32>} : memref<512xi32, #tpu.memory_space<vmem>>, vector<16xi32>,
    %get3A_268 = arith.constant 80 : index
    %get3A_269 = tpu.vector_load %arg10[%get3A_268] {strides = array<i32>} : memref<512xi32, #tpu.memory_space<vmem>>, vector<16xi32>,
    %get3A_270 = vector.shape_cast %get3A_269 : vector<16xi32> to vector<16xi32>
    %shift_right_arithmetic3A_271 = arith.constant 14 : i32
    %shift_right_arithmetic3A_272 = vector.broadcast %shift_right_arithmetic3A_271 : i32 to vector<16xi32>
    %shift_right_arithmetic3A_273 = arith.shrsi %get3A_270, %shift_right_arithmetic3A_272 : vector<16xi32>
    %shift_left3A_274 = arith.constant 13 : i32
    %shift_left3A_275 = vector.broadcast %shift_left3A_274 : i32 to vector<16xi32>
    %shift_left3A_276 = arith.shli %shift_right_arithmetic3A_273, %shift_left3A_275 : vector<16xi32>
    %and3A_277 = arith.constant 8191 : i32
    %and3A_278 = vector.broadcast %and3A_277 : i32 to vector<16xi32>
    %and3A_279 = arith.andi %get3A_270, %and3A_278 : vector<16xi32>
    %add3A_280 = arith.addi %shift_left3A_276, %and3A_279 : vector<16xi32>
    %mul3A_281 = arith.constant 2 : i32
    %mul3A_282 = vector.broadcast %mul3A_281 : i32 to vector<16xi32>
    %mul3A_283 = arith.muli %add3A_280, %mul3A_282 : vector<16xi32>
    %shift_right_arithmetic3A_284 = arith.constant 13 : i32
    %shift_right_arithmetic3A_285 = vector.broadcast %shift_right_arithmetic3A_284 : i32 to vector<16xi32>
    %shift_right_arithmetic3A_286 = arith.shrsi %get3A_270, %shift_right_arithmetic3A_285 : vector<16xi32>
    %and3A_287 = arith.constant 1 : i32
    %and3A_288 = vector.broadcast %and3A_287 : i32 to vector<16xi32>
    %and3A_289 = arith.andi %shift_right_arithmetic3A_286, %and3A_288 : vector<16xi32>
    %add3A_290 = arith.addi %mul3A_283, %and3A_289 : vector<16xi32>
    %swap3A_291 = arith.constant 80 : index
    %swap3A_292 = tpu.vector_load %arg10[%swap3A_291] {strides = array<i32>} : memref<512xi32, #tpu.memory_space<vmem>>, vector<16xi32>,
    %swap3A_293 = vector.shape_cast %swap3A_292 : vector<16xi32> to vector<16xi32>
    %swap3A_294 = vector.shape_cast %add3A_290 : vector<16xi32> to vector<16xi32>
    tpu.vector_store %arg10[%swap3A_291], %swap3A_294 {strides = array<i32>} : memref<512xi32, #tpu.memory_space<vmem>>, vector<16xi32>,
    %get3A_295 = arith.constant 80 : index
    %get3A_296 = tpu.vector_load %arg11[%get3A_295] {strides = array<i32>} : memref<512xi32, #tpu.memory_space<vmem>>, vector<16xi32>,
    %get3A_297 = vector.shape_cast %get3A_296 : vector<16xi32> to vector<16xi32>
    %shift_right_arithmetic3A_298 = arith.constant 14 : i32
    %shift_right_arithmetic3A_299 = vector.broadcast %shift_right_arithmetic3A_298 : i32 to vector<16xi32>
    %shift_right_arithmetic3A_300 = arith.shrsi %get3A_297, %shift_right_arithmetic3A_299 : vector<16xi32>
    %shift_left3A_301 = arith.constant 13 : i32
    %shift_left3A_302 = vector.broadcast %shift_left3A_301 : i32 to vector<16xi32>
    %shift_left3A_303 = arith.shli %shift_right_arithmetic3A_300, %shift_left3A_302 : vector<16xi32>
    %and3A_304 = arith.constant 8191 : i32
    %and3A_305 = vector.broadcast %and3A_304 : i32 to vector<16xi32>
    %and3A_306 = arith.andi %get3A_297, %and3A_305 : vector<16xi32>
    %add3A_307 = arith.addi %shift_left3A_303, %and3A_306 : vector<16xi32>
    %mul3A_308 = arith.constant 2 : i32
    %mul3A_309 = vector.broadcast %mul3A_308 : i32 to vector<16xi32>
    %mul3A_310 = arith.muli %add3A_307, %mul3A_309 : vector<16xi32>
    %shift_right_arithmetic3A_311 = arith.constant 13 : i32
    %shift_right_arithmetic3A_312 = vector.broadcast %shift_right_arithmetic3A_311 : i32 to vector<16xi32>
    %shift_right_arithmetic3A_313 = arith.shrsi %get3A_297, %shift_right_arithmetic3A_312 : vector<16xi32>
    %and3A_314 = arith.constant 1 : i32
    %and3A_315 = vector.broadcast %and3A_314 : i32 to vector<16xi32>
    %and3A_316 = arith.andi %shift_right_arithmetic3A_313, %and3A_315 : vector<16xi32>
    %add3A_317 = arith.addi %mul3A_310, %and3A_316 : vector<16xi32>
    %swap3A_318 = arith.constant 80 : index
    %swap3A_319 = tpu.vector_load %arg11[%swap3A_318] {strides = array<i32>} : memref<512xi32, #tpu.memory_space<vmem>>, vector<16xi32>,
    %swap3A_320 = vector.shape_cast %swap3A_319 : vector<16xi32> to vector<16xi32>
    %swap3A_321 = vector.shape_cast %add3A_317 : vector<16xi32> to vector<16xi32>
    tpu.vector_store %arg11[%swap3A_318], %swap3A_321 {strides = array<i32>} : memref<512xi32, #tpu.memory_space<vmem>>, vector<16xi32>,
    %get3A_322 = arith.constant 96 : index
    %get3A_323 = tpu.vector_load %arg10[%get3A_322] {strides = array<i32>} : memref<512xi32, #tpu.memory_space<vmem>>, vector<16xi32>,
    %get3A_324 = vector.shape_cast %get3A_323 : vector<16xi32> to vector<16xi32>
    %shift_right_arithmetic3A_325 = arith.constant 14 : i32
    %shift_right_arithmetic3A_326 = vector.broadcast %shift_right_arithmetic3A_325 : i32 to vector<16xi32>
    %shift_right_arithmetic3A_327 = arith.shrsi %get3A_324, %shift_right_arithmetic3A_326 : vector<16xi32>
    %shift_left3A_328 = arith.constant 13 : i32
    %shift_left3A_329 = vector.broadcast %shift_left3A_328 : i32 to vector<16xi32>
    %shift_left3A_330 = arith.shli %shift_right_arithmetic3A_327, %shift_left3A_329 : vector<16xi32>
    %and3A_331 = arith.constant 8191 : i32
    %and3A_332 = vector.broadcast %and3A_331 : i32 to vector<16xi32>
    %and3A_333 = arith.andi %get3A_324, %and3A_332 : vector<16xi32>
    %add3A_334 = arith.addi %shift_left3A_330, %and3A_333 : vector<16xi32>
    %mul3A_335 = arith.constant 2 : i32
    %mul3A_336 = vector.broadcast %mul3A_335 : i32 to vector<16xi32>
    %mul3A_337 = arith.muli %add3A_334, %mul3A_336 : vector<16xi32>
    %shift_right_arithmetic3A_338 = arith.constant 13 : i32
    %shift_right_arithmetic3A_339 = vector.broadcast %shift_right_arithmetic3A_338 : i32 to vector<16xi32>
    %shift_right_arithmetic3A_340 = arith.shrsi %get3A_324, %shift_right_arithmetic3A_339 : vector<16xi32>
    %and3A_341 = arith.constant 1 : i32
    %and3A_342 = vector.broadcast %and3A_341 : i32 to vector<16xi32>
    %and3A_343 = arith.andi %shift_right_arithmetic3A_340, %and3A_342 : vector<16xi32>
    %add3A_344 = arith.addi %mul3A_337, %and3A_343 : vector<16xi32>
    %swap3A_345 = arith.constant 96 : index
    %swap3A_346 = tpu.vector_load %arg10[%swap3A_345] {strides = array<i32>} : memref<512xi32, #tpu.memory_space<vmem>>, vector<16xi32>,
    %swap3A_347 = vector.shape_cast %swap3A_346 : vector<16xi32> to vector<16xi32>
    %swap3A_348 = vector.shape_cast %add3A_344 : vector<16xi32> to vector<16xi32>
    tpu.vector_store %arg10[%swap3A_345], %swap3A_348 {strides = array<i32>} : memref<512xi32, #tpu.memory_space<vmem>>, vector<16xi32>,
    %get3A_349 = arith.constant 96 : index
    %get3A_350 = tpu.vector_load %arg11[%get3A_349] {strides = array<i32>} : memref<512xi32, #tpu.memory_space<vmem>>, vector<16xi32>,
    %get3A_351 = vector.shape_cast %get3A_350 : vector<16xi32> to vector<16xi32>
    %shift_right_arithmetic3A_352 = arith.constant 14 : i32
    %shift_right_arithmetic3A_353 = vector.broadcast %shift_right_arithmetic3A_352 : i32 to vector<16xi32>
    %shift_right_arithmetic3A_354 = arith.shrsi %get3A_351, %shift_right_arithmetic3A_353 : vector<16xi32>
    %shift_left3A_355 = arith.constant 13 : i32
    %shift_left3A_356 = vector.broadcast %shift_left3A_355 : i32 to vector<16xi32>
    %shift_left3A_357 = arith.shli %shift_right_arithmetic3A_354, %shift_left3A_356 : vector<16xi32>
    %and3A_358 = arith.constant 8191 : i32
    %and3A_359 = vector.broadcast %and3A_358 : i32 to vector<16xi32>
    %and3A_360 = arith.andi %get3A_351, %and3A_359 : vector<16xi32>
    %add3A_361 = arith.addi %shift_left3A_357, %and3A_360 : vector<16xi32>
    %mul3A_362 = arith.constant 2 : i32
    %mul3A_363 = vector.broadcast %mul3A_362 : i32 to vector<16xi32>
    %mul3A_364 = arith.muli %add3A_361, %mul3A_363 : vector<16xi32>
    %shift_right_arithmetic3A_365 = arith.constant 13 : i32
    %shift_right_arithmetic3A_366 = vector.broadcast %shift_right_arithmetic3A_365 : i32 to vector<16xi32>
    %shift_right_arithmetic3A_367 = arith.shrsi %get3A_351, %shift_right_arithmetic3A_366 : vector<16xi32>
    %and3A_368 = arith.constant 1 : i32
    %and3A_369 = vector.broadcast %and3A_368 : i32 to vector<16xi32>
    %and3A_370 = arith.andi %shift_right_arithmetic3A_367, %and3A_369 : vector<16xi32>
    %add3A_371 = arith.addi %mul3A_364, %and3A_370 : vector<16xi32>
    %swap3A_372 = arith.constant 96 : index
    %swap3A_373 = tpu.vector_load %arg11[%swap3A_372] {strides = array<i32>} : memref<512xi32, #tpu.memory_space<vmem>>, vector<16xi32>,
    %swap3A_374 = vector.shape_cast %swap3A_373 : vector<16xi32> to vector<16xi32>
    %swap3A_375 = vector.shape_cast %add3A_371 : vector<16xi32> to vector<16xi32>
    tpu.vector_store %arg11[%swap3A_372], %swap3A_375 {strides = array<i32>} : memref<512xi32, #tpu.memory_space<vmem>>, vector<16xi32>,
    %get3A_376 = arith.constant 112 : index
    %get3A_377 = tpu.vector_load %arg10[%get3A_376] {strides = array<i32>} : memref<512xi32, #tpu.memory_space<vmem>>, vector<16xi32>,
    %get3A_378 = vector.shape_cast %get3A_377 : vector<16xi32> to vector<16xi32>
    %shift_right_arithmetic3A_379 = arith.constant 14 : i32
    %shift_right_arithmetic3A_380 = vector.broadcast %shift_right_arithmetic3A_379 : i32 to vector<16xi32>
    %shift_right_arithmetic3A_381 = arith.shrsi %get3A_378, %shift_right_arithmetic3A_380 : vector<16xi32>
    %shift_left3A_382 = arith.constant 13 : i32
    %shift_left3A_383 = vector.broadcast %shift_left3A_382 : i32 to vector<16xi32>
    %shift_left3A_384 = arith.shli %shift_right_arithmetic3A_381, %shift_left3A_383 : vector<16xi32>
    %and3A_385 = arith.constant 8191 : i32
    %and3A_386 = vector.broadcast %and3A_385 : i32 to vector<16xi32>
    %and3A_387 = arith.andi %get3A_378, %and3A_386 : vector<16xi32>
    %add3A_388 = arith.addi %shift_left3A_384, %and3A_387 : vector<16xi32>
    %mul3A_389 = arith.constant 2 : i32
    %mul3A_390 = vector.broadcast %mul3A_389 : i32 to vector<16xi32>
    %mul3A_391 = arith.muli %add3A_388, %mul3A_390 : vector<16xi32>
    %shift_right_arithmetic3A_392 = arith.constant 13 : i32
    %shift_right_arithmetic3A_393 = vector.broadcast %shift_right_arithmetic3A_392 : i32 to vector<16xi32>
    %shift_right_arithmetic3A_394 = arith.shrsi %get3A_378, %shift_right_arithmetic3A_393 : vector<16xi32>
    %and3A_395 = arith.constant 1 : i32
    %and3A_396 = vector.broadcast %and3A_395 : i32 to vector<16xi32>
    %and3A_397 = arith.andi %shift_right_arithmetic3A_394, %and3A_396 : vector<16xi32>
    %add3A_398 = arith.addi %mul3A_391, %and3A_397 : vector<16xi32>
    %swap3A_399 = arith.constant 112 : index
    %swap3A_400 = tpu.vector_load %arg10[%swap3A_399] {strides = array<i32>} : memref<512xi32, #tpu.memory_space<vmem>>, vector<16xi32>,
    %swap3A_401 = vector.shape_cast %swap3A_400 : vector<16xi32> to vector<16xi32>
    %swap3A_402 = vector.shape_cast %add3A_398 : vector<16xi32> to vector<16xi32>
    tpu.vector_store %arg10[%swap3A_399], %swap3A_402 {strides = array<i32>} : memref<512xi32, #tpu.memory_space<vmem>>, vector<16xi32>,
    %get3A_403 = arith.constant 112 : index
    %get3A_404 = tpu.vector_load %arg11[%get3A_403] {strides = array<i32>} : memref<512xi32, #tpu.memory_space<vmem>>, vector<16xi32>,
    %get3A_405 = vector.shape_cast %get3A_404 : vector<16xi32> to vector<16xi32>
    %shift_right_arithmetic3A_406 = arith.constant 14 : i32
    %shift_right_arithmetic3A_407 = vector.broadcast %shift_right_arithmetic3A_406 : i32 to vector<16xi32>
    %shift_right_arithmetic3A_408 = arith.shrsi %get3A_405, %shift_right_arithmetic3A_407 : vector<16xi32>
    %shift_left3A_409 = arith.constant 13 : i32
    %shift_left3A_410 = vector.broadcast %shift_left3A_409 : i32 to vector<16xi32>
    %shift_left3A_411 = arith.shli %shift_right_arithmetic3A_408, %shift_left3A_410 : vector<16xi32>
    %and3A_412 = arith.constant 8191 : i32
    %and3A_413 = vector.broadcast %and3A_412 : i32 to vector<16xi32>
    %and3A_414 = arith.andi %get3A_405, %and3A_413 : vector<16xi32>
    %add3A_415 = arith.addi %shift_left3A_411, %and3A_414 : vector<16xi32>
    %mul3A_416 = arith.constant 2 : i32
    %mul3A_417 = vector.broadcast %mul3A_416 : i32 to vector<16xi32>
    %mul3A_418 = arith.muli %add3A_415, %mul3A_417 : vector<16xi32>
    %shift_right_arithmetic3A_419 = arith.constant 13 : i32
    %shift_right_arithmetic3A_420 = vector.broadcast %shift_right_arithmetic3A_419 : i32 to vector<16xi32>
    %shift_right_arithmetic3A_421 = arith.shrsi %get3A_405, %shift_right_arithmetic3A_420 : vector<16xi32>
    %and3A_422 = arith.constant 1 : i32
    %and3A_423 = vector.broadcast %and3A_422 : i32 to vector<16xi32>
    %and3A_424 = arith.andi %shift_right_arithmetic3A_421, %and3A_423 : vector<16xi32>
    %add3A_425 = arith.addi %mul3A_418, %and3A_424 : vector<16xi32>
    %swap3A_426 = arith.constant 112 : index
    %swap3A_427 = tpu.vector_load %arg11[%swap3A_426] {strides = array<i32>} : memref<512xi32, #tpu.memory_space<vmem>>, vector<16xi32>,
    %swap3A_428 = vector.shape_cast %swap3A_427 : vector<16xi32> to vector<16xi32>
    %swap3A_429 = vector.shape_cast %add3A_425 : vector<16xi32> to vector<16xi32>
    tpu.vector_store %arg11[%swap3A_426], %swap3A_429 {strides = array<i32>} : memref<512xi32, #tpu.memory_space<vmem>>, vector<16xi32>,
    %get3A_430 = arith.constant 128 : index
    %get3A_431 = tpu.vector_load %arg10[%get3A_430] {strides = array<i32>} : memref<512xi32, #tpu.memory_space<vmem>>, vector<16xi32>,
    %get3A_432 = vector.shape_cast %get3A_431 : vector<16xi32> to vector<16xi32>
    %shift_right_arithmetic3A_433 = arith.constant 14 : i32
    %shift_right_arithmetic3A_434 = vector.broadcast %shift_right_arithmetic3A_433 : i32 to vector<16xi32>
    %shift_right_arithmetic3A_435 = arith.shrsi %get3A_432, %shift_right_arithmetic3A_434 : vector<16xi32>
    %shift_left3A_436 = arith.constant 13 : i32
    %shift_left3A_437 = vector.broadcast %shift_left3A_436 : i32 to vector<16xi32>
    %shift_left3A_438 = arith.shli %shift_right_arithmetic3A_435, %shift_left3A_437 : vector<16xi32>
    %and3A_439 = arith.constant 8191 : i32
    %and3A_440 = vector.broadcast %and3A_439 : i32 to vector<16xi32>
    %and3A_441 = arith.andi %get3A_432, %and3A_440 : vector<16xi32>
    %add3A_442 = arith.addi %shift_left3A_438, %and3A_441 : vector<16xi32>
    %mul3A_443 = arith.constant 2 : i32
    %mul3A_444 = vector.broadcast %mul3A_443 : i32 to vector<16xi32>
    %mul3A_445 = arith.muli %add3A_442, %mul3A_444 : vector<16xi32>
    %shift_right_arithmetic3A_446 = arith.constant 13 : i32
    %shift_right_arithmetic3A_447 = vector.broadcast %shift_right_arithmetic3A_446 : i32 to vector<16xi32>
    %shift_right_arithmetic3A_448 = arith.shrsi %get3A_432, %shift_right_arithmetic3A_447 : vector<16xi32>
    %and3A_449 = arith.constant 1 : i32
    %and3A_450 = vector.broadcast %and3A_449 : i32 to vector<16xi32>
    %and3A_451 = arith.andi %shift_right_arithmetic3A_448, %and3A_450 : vector<16xi32>
    %add3A_452 = arith.addi %mul3A_445, %and3A_451 : vector<16xi32>
    %swap3A_453 = arith.constant 128 : index
    %swap3A_454 = tpu.vector_load %arg10[%swap3A_453] {strides = array<i32>} : memref<512xi32, #tpu.memory_space<vmem>>, vector<16xi32>,
    %swap3A_455 = vector.shape_cast %swap3A_454 : vector<16xi32> to vector<16xi32>
    %swap3A_456 = vector.shape_cast %add3A_452 : vector<16xi32> to vector<16xi32>
    tpu.vector_store %arg10[%swap3A_453], %swap3A_456 {strides = array<i32>} : memref<512xi32, #tpu.memory_space<vmem>>, vector<16xi32>,
    %get3A_457 = arith.constant 128 : index
    %get3A_458 = tpu.vector_load %arg11[%get3A_457] {strides = array<i32>} : memref<512xi32, #tpu.memory_space<vmem>>, vector<16xi32>,
    %get3A_459 = vector.shape_cast %get3A_458 : vector<16xi32> to vector<16xi32>
    %shift_right_arithmetic3A_460 = arith.constant 14 : i32
    %shift_right_arithmetic3A_461 = vector.broadcast %shift_right_arithmetic3A_460 : i32 to vector<16xi32>
    %shift_right_arithmetic3A_462 = arith.shrsi %get3A_459, %shift_right_arithmetic3A_461 : vector<16xi32>
    %shift_left3A_463 = arith.constant 13 : i32
    %shift_left3A_464 = vector.broadcast %shift_left3A_463 : i32 to vector<16xi32>
    %shift_left3A_465 = arith.shli %shift_right_arithmetic3A_462, %shift_left3A_464 : vector<16xi32>
    %and3A_466 = arith.constant 8191 : i32
    %and3A_467 = vector.broadcast %and3A_466 : i32 to vector<16xi32>
    %and3A_468 = arith.andi %get3A_459, %and3A_467 : vector<16xi32>
    %add3A_469 = arith.addi %shift_left3A_465, %and3A_468 : vector<16xi32>
    %mul3A_470 = arith.constant 2 : i32
    %mul3A_471 = vector.broadcast %mul3A_470 : i32 to vector<16xi32>
    %mul3A_472 = arith.muli %add3A_469, %mul3A_471 : vector<16xi32>
    %shift_right_arithmetic3A_473 = arith.constant 13 : i32
    %shift_right_arithmetic3A_474 = vector.broadcast %shift_right_arithmetic3A_473 : i32 to vector<16xi32>
    %shift_right_arithmetic3A_475 = arith.shrsi %get3A_459, %shift_right_arithmetic3A_474 : vector<16xi32>
    %and3A_476 = arith.constant 1 : i32
    %and3A_477 = vector.broadcast %and3A_476 : i32 to vector<16xi32>
    %and3A_478 = arith.andi %shift_right_arithmetic3A_475, %and3A_477 : vector<16xi32>
    %add3A_479 = arith.addi %mul3A_472, %and3A_478 : vector<16xi32>
    %swap3A_480 = arith.constant 128 : index
    %swap3A_481 = tpu.vector_load %arg11[%swap3A_480] {strides = array<i32>} : memref<512xi32, #tpu.memory_space<vmem>>, vector<16xi32>,
    %swap3A_482 = vector.shape_cast %swap3A_481 : vector<16xi32> to vector<16xi32>
    %swap3A_483 = vector.shape_cast %add3A_479 : vector<16xi32> to vector<16xi32>
    tpu.vector_store %arg11[%swap3A_480], %swap3A_483 {strides = array<i32>} : memref<512xi32, #tpu.memory_space<vmem>>, vector<16xi32>,
    %get3A_484 = arith.constant 144 : index
    %get3A_485 = tpu.vector_load %arg10[%get3A_484] {strides = array<i32>} : memref<512xi32, #tpu.memory_space<vmem>>, vector<16xi32>,
    %get3A_486 = vector.shape_cast %get3A_485 : vector<16xi32> to vector<16xi32>
    %shift_right_arithmetic3A_487 = arith.constant 14 : i32
    %shift_right_arithmetic3A_488 = vector.broadcast %shift_right_arithmetic3A_487 : i32 to vector<16xi32>
    %shift_right_arithmetic3A_489 = arith.shrsi %get3A_486, %shift_right_arithmetic3A_488 : vector<16xi32>
    %shift_left3A_490 = arith.constant 13 : i32
    %shift_left3A_491 = vector.broadcast %shift_left3A_490 : i32 to vector<16xi32>
    %shift_left3A_492 = arith.shli %shift_right_arithmetic3A_489, %shift_left3A_491 : vector<16xi32>
    %and3A_493 = arith.constant 8191 : i32
    %and3A_494 = vector.broadcast %and3A_493 : i32 to vector<16xi32>
    %and3A_495 = arith.andi %get3A_486, %and3A_494 : vector<16xi32>
    %add3A_496 = arith.addi %shift_left3A_492, %and3A_495 : vector<16xi32>
    %mul3A_497 = arith.constant 2 : i32
    %mul3A_498 = vector.broadcast %mul3A_497 : i32 to vector<16xi32>
    %mul3A_499 = arith.muli %add3A_496, %mul3A_498 : vector<16xi32>
    %shift_right_arithmetic3A_500 = arith.constant 13 : i32
    %shift_right_arithmetic3A_501 = vector.broadcast %shift_right_arithmetic3A_500 : i32 to vector<16xi32>
    %shift_right_arithmetic3A_502 = arith.shrsi %get3A_486, %shift_right_arithmetic3A_501 : vector<16xi32>
    %and3A_503 = arith.constant 1 : i32
    %and3A_504 = vector.broadcast %and3A_503 : i32 to vector<16xi32>
    %and3A_505 = arith.andi %shift_right_arithmetic3A_502, %and3A_504 : vector<16xi32>
    %add3A_506 = arith.addi %mul3A_499, %and3A_505 : vector<16xi32>
    %swap3A_507 = arith.constant 144 : index
    %swap3A_508 = tpu.vector_load %arg10[%swap3A_507] {strides = array<i32>} : memref<512xi32, #tpu.memory_space<vmem>>, vector<16xi32>,
    %swap3A_509 = vector.shape_cast %swap3A_508 : vector<16xi32> to vector<16xi32>
    %swap3A_510 = vector.shape_cast %add3A_506 : vector<16xi32> to vector<16xi32>
    tpu.vector_store %arg10[%swap3A_507], %swap3A_510 {strides = array<i32>} : memref<512xi32, #tpu.memory_space<vmem>>, vector<16xi32>,
    %get3A_511 = arith.constant 144 : index
    %get3A_512 = tpu.vector_load %arg11[%get3A_511] {strides = array<i32>} : memref<512xi32, #tpu.memory_space<vmem>>, vector<16xi32>,
    %get3A_513 = vector.shape_cast %get3A_512 : vector<16xi32> to vector<16xi32>
    %shift_right_arithmetic3A_514 = arith.constant 14 : i32
    %shift_right_arithmetic3A_515 = vector.broadcast %shift_right_arithmetic3A_514 : i32 to vector<16xi32>
    %shift_right_arithmetic3A_516 = arith.shrsi %get3A_513, %shift_right_arithmetic3A_515 : vector<16xi32>
    %shift_left3A_517 = arith.constant 13 : i32
    %shift_left3A_518 = vector.broadcast %shift_left3A_517 : i32 to vector<16xi32>
    %shift_left3A_519 = arith.shli %shift_right_arithmetic3A_516, %shift_left3A_518 : vector<16xi32>
    %and3A_520 = arith.constant 8191 : i32
    %and3A_521 = vector.broadcast %and3A_520 : i32 to vector<16xi32>
    %and3A_522 = arith.andi %get3A_513, %and3A_521 : vector<16xi32>
    %add3A_523 = arith.addi %shift_left3A_519, %and3A_522 : vector<16xi32>
    %mul3A_524 = arith.constant 2 : i32
    %mul3A_525 = vector.broadcast %mul3A_524 : i32 to vector<16xi32>
    %mul3A_526 = arith.muli %add3A_523, %mul3A_525 : vector<16xi32>
    %shift_right_arithmetic3A_527 = arith.constant 13 : i32
    %shift_right_arithmetic3A_528 = vector.broadcast %shift_right_arithmetic3A_527 : i32 to vector<16xi32>
    %shift_right_arithmetic3A_529 = arith.shrsi %get3A_513, %shift_right_arithmetic3A_528 : vector<16xi32>
    %and3A_530 = arith.constant 1 : i32
    %and3A_531 = vector.broadcast %and3A_530 : i32 to vector<16xi32>
    %and3A_532 = arith.andi %shift_right_arithmetic3A_529, %and3A_531 : vector<16xi32>
    %add3A_533 = arith.addi %mul3A_526, %and3A_532 : vector<16xi32>
    %swap3A_534 = arith.constant 144 : index
    %swap3A_535 = tpu.vector_load %arg11[%swap3A_534] {strides = array<i32>} : memref<512xi32, #tpu.memory_space<vmem>>, vector<16xi32>,
    %swap3A_536 = vector.shape_cast %swap3A_535 : vector<16xi32> to vector<16xi32>
    %swap3A_537 = vector.shape_cast %add3A_533 : vector<16xi32> to vector<16xi32>
    tpu.vector_store %arg11[%swap3A_534], %swap3A_537 {strides = array<i32>} : memref<512xi32, #tpu.memory_space<vmem>>, vector<16xi32>,
    %get3A_538 = arith.constant 160 : index
    %get3A_539 = tpu.vector_load %arg10[%get3A_538] {strides = array<i32>} : memref<512xi32, #tpu.memory_space<vmem>>, vector<16xi32>,
    %get3A_540 = vector.shape_cast %get3A_539 : vector<16xi32> to vector<16xi32>
    %shift_right_arithmetic3A_541 = arith.constant 14 : i32
    %shift_right_arithmetic3A_542 = vector.broadcast %shift_right_arithmetic3A_541 : i32 to vector<16xi32>
    %shift_right_arithmetic3A_543 = arith.shrsi %get3A_540, %shift_right_arithmetic3A_542 : vector<16xi32>
    %shift_left3A_544 = arith.constant 13 : i32
    %shift_left3A_545 = vector.broadcast %shift_left3A_544 : i32 to vector<16xi32>
    %shift_left3A_546 = arith.shli %shift_right_arithmetic3A_543, %shift_left3A_545 : vector<16xi32>
    %and3A_547 = arith.constant 8191 : i32
    %and3A_548 = vector.broadcast %and3A_547 : i32 to vector<16xi32>
    %and3A_549 = arith.andi %get3A_540, %and3A_548 : vector<16xi32>
    %add3A_550 = arith.addi %shift_left3A_546, %and3A_549 : vector<16xi32>
    %mul3A_551 = arith.constant 2 : i32
    %mul3A_552 = vector.broadcast %mul3A_551 : i32 to vector<16xi32>
    %mul3A_553 = arith.muli %add3A_550, %mul3A_552 : vector<16xi32>
    %shift_right_arithmetic3A_554 = arith.constant 13 : i32
    %shift_right_arithmetic3A_555 = vector.broadcast %shift_right_arithmetic3A_554 : i32 to vector<16xi32>
    %shift_right_arithmetic3A_556 = arith.shrsi %get3A_540, %shift_right_arithmetic3A_555 : vector<16xi32>
    %and3A_557 = arith.constant 1 : i32
    %and3A_558 = vector.broadcast %and3A_557 : i32 to vector<16xi32>
    %and3A_559 = arith.andi %shift_right_arithmetic3A_556, %and3A_558 : vector<16xi32>
    %add3A_560 = arith.addi %mul3A_553, %and3A_559 : vector<16xi32>
    %swap3A_561 = arith.constant 160 : index
    %swap3A_562 = tpu.vector_load %arg10[%swap3A_561] {strides = array<i32>} : memref<512xi32, #tpu.memory_space<vmem>>, vector<16xi32>,
    %swap3A_563 = vector.shape_cast %swap3A_562 : vector<16xi32> to vector<16xi32>
    %swap3A_564 = vector.shape_cast %add3A_560 : vector<16xi32> to vector<16xi32>
    tpu.vector_store %arg10[%swap3A_561], %swap3A_564 {strides = array<i32>} : memref<512xi32, #tpu.memory_space<vmem>>, vector<16xi32>,
    %get3A_565 = arith.constant 160 : index
    %get3A_566 = tpu.vector_load %arg11[%get3A_565] {strides = array<i32>} : memref<512xi32, #tpu.memory_space<vmem>>, vector<16xi32>,
    %get3A_567 = vector.shape_cast %get3A_566 : vector<16xi32> to vector<16xi32>
    %shift_right_arithmetic3A_568 = arith.constant 14 : i32
    %shift_right_arithmetic3A_569 = vector.broadcast %shift_right_arithmetic3A_568 : i32 to vector<16xi32>
    %shift_right_arithmetic3A_570 = arith.shrsi %get3A_567, %shift_right_arithmetic3A_569 : vector<16xi32>
    %shift_left3A_571 = arith.constant 13 : i32
    %shift_left3A_572 = vector.broadcast %shift_left3A_571 : i32 to vector<16xi32>
    %shift_left3A_573 = arith.shli %shift_right_arithmetic3A_570, %shift_left3A_572 : vector<16xi32>
    %and3A_574 = arith.constant 8191 : i32
    %and3A_575 = vector.broadcast %and3A_574 : i32 to vector<16xi32>
    %and3A_576 = arith.andi %get3A_567, %and3A_575 : vector<16xi32>
    %add3A_577 = arith.addi %shift_left3A_573, %and3A_576 : vector<16xi32>
    %mul3A_578 = arith.constant 2 : i32
    %mul3A_579 = vector.broadcast %mul3A_578 : i32 to vector<16xi32>
    %mul3A_580 = arith.muli %add3A_577, %mul3A_579 : vector<16xi32>
    %shift_right_arithmetic3A_581 = arith.constant 13 : i32
    %shift_right_arithmetic3A_582 = vector.broadcast %shift_right_arithmetic3A_581 : i32 to vector<16xi32>
    %shift_right_arithmetic3A_583 = arith.shrsi %get3A_567, %shift_right_arithmetic3A_582 : vector<16xi32>
    %and3A_584 = arith.constant 1 : i32
    %and3A_585 = vector.broadcast %and3A_584 : i32 to vector<16xi32>
    %and3A_586 = arith.andi %shift_right_arithmetic3A_583, %and3A_585 : vector<16xi32>
    %add3A_587 = arith.addi %mul3A_580, %and3A_586 : vector<16xi32>
    %swap3A_588 = arith.constant 160 : index
    %swap3A_589 = tpu.vector_load %arg11[%swap3A_588] {strides = array<i32>} : memref<512xi32, #tpu.memory_space<vmem>>, vector<16xi32>,
    %swap3A_590 = vector.shape_cast %swap3A_589 : vector<16xi32> to vector<16xi32>
    %swap3A_591 = vector.shape_cast %add3A_587 : vector<16xi32> to vector<16xi32>
    tpu.vector_store %arg11[%swap3A_588], %swap3A_591 {strides = array<i32>} : memref<512xi32, #tpu.memory_space<vmem>>, vector<16xi32>,
    %get3A_592 = arith.constant 176 : index
    %get3A_593 = tpu.vector_load %arg10[%get3A_592] {strides = array<i32>} : memref<512xi32, #tpu.memory_space<vmem>>, vector<16xi32>,
    %get3A_594 = vector.shape_cast %get3A_593 : vector<16xi32> to vector<16xi32>
    %shift_right_arithmetic3A_595 = arith.constant 14 : i32
    %shift_right_arithmetic3A_596 = vector.broadcast %shift_right_arithmetic3A_595 : i32 to vector<16xi32>
    %shift_right_arithmetic3A_597 = arith.shrsi %get3A_594, %shift_right_arithmetic3A_596 : vector<16xi32>
    %shift_left3A_598 = arith.constant 13 : i32
    %shift_left3A_599 = vector.broadcast %shift_left3A_598 : i32 to vector<16xi32>
    %shift_left3A_600 = arith.shli %shift_right_arithmetic3A_597, %shift_left3A_599 : vector<16xi32>
    %and3A_601 = arith.constant 8191 : i32
    %and3A_602 = vector.broadcast %and3A_601 : i32 to vector<16xi32>
    %and3A_603 = arith.andi %get3A_594, %and3A_602 : vector<16xi32>
    %add3A_604 = arith.addi %shift_left3A_600, %and3A_603 : vector<16xi32>
    %mul3A_605 = arith.constant 2 : i32
    %mul3A_606 = vector.broadcast %mul3A_605 : i32 to vector<16xi32>
    %mul3A_607 = arith.muli %add3A_604, %mul3A_606 : vector<16xi32>
    %shift_right_arithmetic3A_608 = arith.constant 13 : i32
    %shift_right_arithmetic3A_609 = vector.broadcast %shift_right_arithmetic3A_608 : i32 to vector<16xi32>
    %shift_right_arithmetic3A_610 = arith.shrsi %get3A_594, %shift_right_arithmetic3A_609 : vector<16xi32>
    %and3A_611 = arith.constant 1 : i32
    %and3A_612 = vector.broadcast %and3A_611 : i32 to vector<16xi32>
    %and3A_613 = arith.andi %shift_right_arithmetic3A_610, %and3A_612 : vector<16xi32>
    %add3A_614 = arith.addi %mul3A_607, %and3A_613 : vector<16xi32>
    %swap3A_615 = arith.constant 176 : index
    %swap3A_616 = tpu.vector_load %arg10[%swap3A_615] {strides = array<i32>} : memref<512xi32, #tpu.memory_space<vmem>>, vector<16xi32>,
    %swap3A_617 = vector.shape_cast %swap3A_616 : vector<16xi32> to vector<16xi32>
    %swap3A_618 = vector.shape_cast %add3A_614 : vector<16xi32> to vector<16xi32>
    tpu.vector_store %arg10[%swap3A_615], %swap3A_618 {strides = array<i32>} : memref<512xi32, #tpu.memory_space<vmem>>, vector<16xi32>,
    %get3A_619 = arith.constant 176 : index
    %get3A_620 = tpu.vector_load %arg11[%get3A_619] {strides = array<i32>} : memref<512xi32, #tpu.memory_space<vmem>>, vector<16xi32>,
    %get3A_621 = vector.shape_cast %get3A_620 : vector<16xi32> to vector<16xi32>
    %shift_right_arithmetic3A_622 = arith.constant 14 : i32
    %shift_right_arithmetic3A_623 = vector.broadcast %shift_right_arithmetic3A_622 : i32 to vector<16xi32>
    %shift_right_arithmetic3A_624 = arith.shrsi %get3A_621, %shift_right_arithmetic3A_623 : vector<16xi32>
    %shift_left3A_625 = arith.constant 13 : i32
    %shift_left3A_626 = vector.broadcast %shift_left3A_625 : i32 to vector<16xi32>
    %shift_left3A_627 = arith.shli %shift_right_arithmetic3A_624, %shift_left3A_626 : vector<16xi32>
    %and3A_628 = arith.constant 8191 : i32
    %and3A_629 = vector.broadcast %and3A_628 : i32 to vector<16xi32>
    %and3A_630 = arith.andi %get3A_621, %and3A_629 : vector<16xi32>
    %add3A_631 = arith.addi %shift_left3A_627, %and3A_630 : vector<16xi32>
    %mul3A_632 = arith.constant 2 : i32
    %mul3A_633 = vector.broadcast %mul3A_632 : i32 to vector<16xi32>
    %mul3A_634 = arith.muli %add3A_631, %mul3A_633 : vector<16xi32>
    %shift_right_arithmetic3A_635 = arith.constant 13 : i32
    %shift_right_arithmetic3A_636 = vector.broadcast %shift_right_arithmetic3A_635 : i32 to vector<16xi32>
    %shift_right_arithmetic3A_637 = arith.shrsi %get3A_621, %shift_right_arithmetic3A_636 : vector<16xi32>
    %and3A_638 = arith.constant 1 : i32
    %and3A_639 = vector.broadcast %and3A_638 : i32 to vector<16xi32>
    %and3A_640 = arith.andi %shift_right_arithmetic3A_637, %and3A_639 : vector<16xi32>
    %add3A_641 = arith.addi %mul3A_634, %and3A_640 : vector<16xi32>
    %swap3A_642 = arith.constant 176 : index
    %swap3A_643 = tpu.vector_load %arg11[%swap3A_642] {strides = array<i32>} : memref<512xi32, #tpu.memory_space<vmem>>, vector<16xi32>,
    %swap3A_644 = vector.shape_cast %swap3A_643 : vector<16xi32> to vector<16xi32>
    %swap3A_645 = vector.shape_cast %add3A_641 : vector<16xi32> to vector<16xi32>
    tpu.vector_store %arg11[%swap3A_642], %swap3A_645 {strides = array<i32>} : memref<512xi32, #tpu.memory_space<vmem>>, vector<16xi32>,
    %get3A_646 = arith.constant 192 : index
    %get3A_647 = tpu.vector_load %arg10[%get3A_646] {strides = array<i32>} : memref<512xi32, #tpu.memory_space<vmem>>, vector<16xi32>,
    %get3A_648 = vector.shape_cast %get3A_647 : vector<16xi32> to vector<16xi32>
    %shift_right_arithmetic3A_649 = arith.constant 14 : i32
    %shift_right_arithmetic3A_650 = vector.broadcast %shift_right_arithmetic3A_649 : i32 to vector<16xi32>
    %shift_right_arithmetic3A_651 = arith.shrsi %get3A_648, %shift_right_arithmetic3A_650 : vector<16xi32>
    %shift_left3A_652 = arith.constant 13 : i32
    %shift_left3A_653 = vector.broadcast %shift_left3A_652 : i32 to vector<16xi32>
    %shift_left3A_654 = arith.shli %shift_right_arithmetic3A_651, %shift_left3A_653 : vector<16xi32>
    %and3A_655 = arith.constant 8191 : i32
    %and3A_656 = vector.broadcast %and3A_655 : i32 to vector<16xi32>
    %and3A_657 = arith.andi %get3A_648, %and3A_656 : vector<16xi32>
    %add3A_658 = arith.addi %shift_left3A_654, %and3A_657 : vector<16xi32>
    %mul3A_659 = arith.constant 2 : i32
    %mul3A_660 = vector.broadcast %mul3A_659 : i32 to vector<16xi32>
    %mul3A_661 = arith.muli %add3A_658, %mul3A_660 : vector<16xi32>
    %shift_right_arithmetic3A_662 = arith.constant 13 : i32
    %shift_right_arithmetic3A_663 = vector.broadcast %shift_right_arithmetic3A_662 : i32 to vector<16xi32>
    %shift_right_arithmetic3A_664 = arith.shrsi %get3A_648, %shift_right_arithmetic3A_663 : vector<16xi32>
    %and3A_665 = arith.constant 1 : i32
    %and3A_666 = vector.broadcast %and3A_665 : i32 to vector<16xi32>
    %and3A_667 = arith.andi %shift_right_arithmetic3A_664, %and3A_666 : vector<16xi32>
    %add3A_668 = arith.addi %mul3A_661, %and3A_667 : vector<16xi32>
    %swap3A_669 = arith.constant 192 : index
    %swap3A_670 = tpu.vector_load %arg10[%swap3A_669] {strides = array<i32>} : memref<512xi32, #tpu.memory_space<vmem>>, vector<16xi32>,
    %swap3A_671 = vector.shape_cast %swap3A_670 : vector<16xi32> to vector<16xi32>
    %swap3A_672 = vector.shape_cast %add3A_668 : vector<16xi32> to vector<16xi32>
    tpu.vector_store %arg10[%swap3A_669], %swap3A_672 {strides = array<i32>} : memref<512xi32, #tpu.memory_space<vmem>>, vector<16xi32>,
    %get3A_673 = arith.constant 192 : index
    %get3A_674 = tpu.vector_load %arg11[%get3A_673] {strides = array<i32>} : memref<512xi32, #tpu.memory_space<vmem>>, vector<16xi32>,
    %get3A_675 = vector.shape_cast %get3A_674 : vector<16xi32> to vector<16xi32>
    %shift_right_arithmetic3A_676 = arith.constant 14 : i32
    %shift_right_arithmetic3A_677 = vector.broadcast %shift_right_arithmetic3A_676 : i32 to vector<16xi32>
    %shift_right_arithmetic3A_678 = arith.shrsi %get3A_675, %shift_right_arithmetic3A_677 : vector<16xi32>
    %shift_left3A_679 = arith.constant 13 : i32
    %shift_left3A_680 = vector.broadcast %shift_left3A_679 : i32 to vector<16xi32>
    %shift_left3A_681 = arith.shli %shift_right_arithmetic3A_678, %shift_left3A_680 : vector<16xi32>
    %and3A_682 = arith.constant 8191 : i32
    %and3A_683 = vector.broadcast %and3A_682 : i32 to vector<16xi32>
    %and3A_684 = arith.andi %get3A_675, %and3A_683 : vector<16xi32>
    %add3A_685 = arith.addi %shift_left3A_681, %and3A_684 : vector<16xi32>
    %mul3A_686 = arith.constant 2 : i32
    %mul3A_687 = vector.broadcast %mul3A_686 : i32 to vector<16xi32>
    %mul3A_688 = arith.muli %add3A_685, %mul3A_687 : vector<16xi32>
    %shift_right_arithmetic3A_689 = arith.constant 13 : i32
    %shift_right_arithmetic3A_690 = vector.broadcast %shift_right_arithmetic3A_689 : i32 to vector<16xi32>
    %shift_right_arithmetic3A_691 = arith.shrsi %get3A_675, %shift_right_arithmetic3A_690 : vector<16xi32>
    %and3A_692 = arith.constant 1 : i32
    %and3A_693 = vector.broadcast %and3A_692 : i32 to vector<16xi32>
    %and3A_694 = arith.andi %shift_right_arithmetic3A_691, %and3A_693 : vector<16xi32>
    %add3A_695 = arith.addi %mul3A_688, %and3A_694 : vector<16xi32>
    %swap3A_696 = arith.constant 192 : index
    %swap3A_697 = tpu.vector_load %arg11[%swap3A_696] {strides = array<i32>} : memref<512xi32, #tpu.memory_space<vmem>>, vector<16xi32>,
    %swap3A_698 = vector.shape_cast %swap3A_697 : vector<16xi32> to vector<16xi32>
    %swap3A_699 = vector.shape_cast %add3A_695 : vector<16xi32> to vector<16xi32>
    tpu.vector_store %arg11[%swap3A_696], %swap3A_699 {strides = array<i32>} : memref<512xi32, #tpu.memory_space<vmem>>, vector<16xi32>,
    %get3A_700 = arith.constant 208 : index
    %get3A_701 = tpu.vector_load %arg10[%get3A_700] {strides = array<i32>} : memref<512xi32, #tpu.memory_space<vmem>>, vector<16xi32>,
    %get3A_702 = vector.shape_cast %get3A_701 : vector<16xi32> to vector<16xi32>
    %shift_right_arithmetic3A_703 = arith.constant 14 : i32
    %shift_right_arithmetic3A_704 = vector.broadcast %shift_right_arithmetic3A_703 : i32 to vector<16xi32>
    %shift_right_arithmetic3A_705 = arith.shrsi %get3A_702, %shift_right_arithmetic3A_704 : vector<16xi32>
    %shift_left3A_706 = arith.constant 13 : i32
    %shift_left3A_707 = vector.broadcast %shift_left3A_706 : i32 to vector<16xi32>
    %shift_left3A_708 = arith.shli %shift_right_arithmetic3A_705, %shift_left3A_707 : vector<16xi32>
    %and3A_709 = arith.constant 8191 : i32
    %and3A_710 = vector.broadcast %and3A_709 : i32 to vector<16xi32>
    %and3A_711 = arith.andi %get3A_702, %and3A_710 : vector<16xi32>
    %add3A_712 = arith.addi %shift_left3A_708, %and3A_711 : vector<16xi32>
    %mul3A_713 = arith.constant 2 : i32
    %mul3A_714 = vector.broadcast %mul3A_713 : i32 to vector<16xi32>
    %mul3A_715 = arith.muli %add3A_712, %mul3A_714 : vector<16xi32>
    %shift_right_arithmetic3A_716 = arith.constant 13 : i32
    %shift_right_arithmetic3A_717 = vector.broadcast %shift_right_arithmetic3A_716 : i32 to vector<16xi32>
    %shift_right_arithmetic3A_718 = arith.shrsi %get3A_702, %shift_right_arithmetic3A_717 : vector<16xi32>
    %and3A_719 = arith.constant 1 : i32
    %and3A_720 = vector.broadcast %and3A_719 : i32 to vector<16xi32>
    %and3A_721 = arith.andi %shift_right_arithmetic3A_718, %and3A_720 : vector<16xi32>
    %add3A_722 = arith.addi %mul3A_715, %and3A_721 : vector<16xi32>
    %swap3A_723 = arith.constant 208 : index
    %swap3A_724 = tpu.vector_load %arg10[%swap3A_723] {strides = array<i32>} : memref<512xi32, #tpu.memory_space<vmem>>, vector<16xi32>,
    %swap3A_725 = vector.shape_cast %swap3A_724 : vector<16xi32> to vector<16xi32>
    %swap3A_726 = vector.shape_cast %add3A_722 : vector<16xi32> to vector<16xi32>
    tpu.vector_store %arg10[%swap3A_723], %swap3A_726 {strides = array<i32>} : memref<512xi32, #tpu.memory_space<vmem>>, vector<16xi32>,
    %get3A_727 = arith.constant 208 : index
    %get3A_728 = tpu.vector_load %arg11[%get3A_727] {strides = array<i32>} : memref<512xi32, #tpu.memory_space<vmem>>, vector<16xi32>,
    %get3A_729 = vector.shape_cast %get3A_728 : vector<16xi32> to vector<16xi32>
    %shift_right_arithmetic3A_730 = arith.constant 14 : i32
    %shift_right_arithmetic3A_731 = vector.broadcast %shift_right_arithmetic3A_730 : i32 to vector<16xi32>
    %shift_right_arithmetic3A_732 = arith.shrsi %get3A_729, %shift_right_arithmetic3A_731 : vector<16xi32>
    %shift_left3A_733 = arith.constant 13 : i32
    %shift_left3A_734 = vector.broadcast %shift_left3A_733 : i32 to vector<16xi32>
    %shift_left3A_735 = arith.shli %shift_right_arithmetic3A_732, %shift_left3A_734 : vector<16xi32>
    %and3A_736 = arith.constant 8191 : i32
    %and3A_737 = vector.broadcast %and3A_736 : i32 to vector<16xi32>
    %and3A_738 = arith.andi %get3A_729, %and3A_737 : vector<16xi32>
    %add3A_739 = arith.addi %shift_left3A_735, %and3A_738 : vector<16xi32>
    %mul3A_740 = arith.constant 2 : i32
    %mul3A_741 = vector.broadcast %mul3A_740 : i32 to vector<16xi32>
    %mul3A_742 = arith.muli %add3A_739, %mul3A_741 : vector<16xi32>
    %shift_right_arithmetic3A_743 = arith.constant 13 : i32
    %shift_right_arithmetic3A_744 = vector.broadcast %shift_right_arithmetic3A_743 : i32 to vector<16xi32>
    %shift_right_arithmetic3A_745 = arith.shrsi %get3A_729, %shift_right_arithmetic3A_744 : vector<16xi32>
    %and3A_746 = arith.constant 1 : i32
    %and3A_747 = vector.broadcast %and3A_746 : i32 to vector<16xi32>
    %and3A_748 = arith.andi %shift_right_arithmetic3A_745, %and3A_747 : vector<16xi32>
    %add3A_749 = arith.addi %mul3A_742, %and3A_748 : vector<16xi32>
    %swap3A_750 = arith.constant 208 : index
    %swap3A_751 = tpu.vector_load %arg11[%swap3A_750] {strides = array<i32>} : memref<512xi32, #tpu.memory_space<vmem>>, vector<16xi32>,
    %swap3A_752 = vector.shape_cast %swap3A_751 : vector<16xi32> to vector<16xi32>
    %swap3A_753 = vector.shape_cast %add3A_749 : vector<16xi32> to vector<16xi32>
    tpu.vector_store %arg11[%swap3A_750], %swap3A_753 {strides = array<i32>} : memref<512xi32, #tpu.memory_space<vmem>>, vector<16xi32>,
    %get3A_754 = arith.constant 224 : index
    %get3A_755 = tpu.vector_load %arg10[%get3A_754] {strides = array<i32>} : memref<512xi32, #tpu.memory_space<vmem>>, vector<16xi32>,
    %get3A_756 = vector.shape_cast %get3A_755 : vector<16xi32> to vector<16xi32>
    %shift_right_arithmetic3A_757 = arith.constant 14 : i32
    %shift_right_arithmetic3A_758 = vector.broadcast %shift_right_arithmetic3A_757 : i32 to vector<16xi32>
    %shift_right_arithmetic3A_759 = arith.shrsi %get3A_756, %shift_right_arithmetic3A_758 : vector<16xi32>
    %shift_left3A_760 = arith.constant 13 : i32
    %shift_left3A_761 = vector.broadcast %shift_left3A_760 : i32 to vector<16xi32>
    %shift_left3A_762 = arith.shli %shift_right_arithmetic3A_759, %shift_left3A_761 : vector<16xi32>
    %and3A_763 = arith.constant 8191 : i32
    %and3A_764 = vector.broadcast %and3A_763 : i32 to vector<16xi32>
    %and3A_765 = arith.andi %get3A_756, %and3A_764 : vector<16xi32>
    %add3A_766 = arith.addi %shift_left3A_762, %and3A_765 : vector<16xi32>
    %mul3A_767 = arith.constant 2 : i32
    %mul3A_768 = vector.broadcast %mul3A_767 : i32 to vector<16xi32>
    %mul3A_769 = arith.muli %add3A_766, %mul3A_768 : vector<16xi32>
    %shift_right_arithmetic3A_770 = arith.constant 13 : i32
    %shift_right_arithmetic3A_771 = vector.broadcast %shift_right_arithmetic3A_770 : i32 to vector<16xi32>
    %shift_right_arithmetic3A_772 = arith.shrsi %get3A_756, %shift_right_arithmetic3A_771 : vector<16xi32>
    %and3A_773 = arith.constant 1 : i32
    %and3A_774 = vector.broadcast %and3A_773 : i32 to vector<16xi32>
    %and3A_775 = arith.andi %shift_right_arithmetic3A_772, %and3A_774 : vector<16xi32>
    %add3A_776 = arith.addi %mul3A_769, %and3A_775 : vector<16xi32>
    %swap3A_777 = arith.constant 224 : index
    %swap3A_778 = tpu.vector_load %arg10[%swap3A_777] {strides = array<i32>} : memref<512xi32, #tpu.memory_space<vmem>>, vector<16xi32>,
    %swap3A_779 = vector.shape_cast %swap3A_778 : vector<16xi32> to vector<16xi32>
    %swap3A_780 = vector.shape_cast %add3A_776 : vector<16xi32> to vector<16xi32>
    tpu.vector_store %arg10[%swap3A_777], %swap3A_780 {strides = array<i32>} : memref<512xi32, #tpu.memory_space<vmem>>, vector<16xi32>,
    %get3A_781 = arith.constant 224 : index
    %get3A_782 = tpu.vector_load %arg11[%get3A_781] {strides = array<i32>} : memref<512xi32, #tpu.memory_space<vmem>>, vector<16xi32>,
    %get3A_783 = vector.shape_cast %get3A_782 : vector<16xi32> to vector<16xi32>
    %shift_right_arithmetic3A_784 = arith.constant 14 : i32
    %shift_right_arithmetic3A_785 = vector.broadcast %shift_right_arithmetic3A_784 : i32 to vector<16xi32>
    %shift_right_arithmetic3A_786 = arith.shrsi %get3A_783, %shift_right_arithmetic3A_785 : vector<16xi32>
    %shift_left3A_787 = arith.constant 13 : i32
    %shift_left3A_788 = vector.broadcast %shift_left3A_787 : i32 to vector<16xi32>
    %shift_left3A_789 = arith.shli %shift_right_arithmetic3A_786, %shift_left3A_788 : vector<16xi32>
    %and3A_790 = arith.constant 8191 : i32
    %and3A_791 = vector.broadcast %and3A_790 : i32 to vector<16xi32>
    %and3A_792 = arith.andi %get3A_783, %and3A_791 : vector<16xi32>
    %add3A_793 = arith.addi %shift_left3A_789, %and3A_792 : vector<16xi32>
    %mul3A_794 = arith.constant 2 : i32
    %mul3A_795 = vector.broadcast %mul3A_794 : i32 to vector<16xi32>
    %mul3A_796 = arith.muli %add3A_793, %mul3A_795 : vector<16xi32>
    %shift_right_arithmetic3A_797 = arith.constant 13 : i32
    %shift_right_arithmetic3A_798 = vector.broadcast %shift_right_arithmetic3A_797 : i32 to vector<16xi32>
    %shift_right_arithmetic3A_799 = arith.shrsi %get3A_783, %shift_right_arithmetic3A_798 : vector<16xi32>
    %and3A_800 = arith.constant 1 : i32
    %and3A_801 = vector.broadcast %and3A_800 : i32 to vector<16xi32>
    %and3A_802 = arith.andi %shift_right_arithmetic3A_799, %and3A_801 : vector<16xi32>
    %add3A_803 = arith.addi %mul3A_796, %and3A_802 : vector<16xi32>
    %swap3A_804 = arith.constant 224 : index
    %swap3A_805 = tpu.vector_load %arg11[%swap3A_804] {strides = array<i32>} : memref<512xi32, #tpu.memory_space<vmem>>, vector<16xi32>,
    %swap3A_806 = vector.shape_cast %swap3A_805 : vector<16xi32> to vector<16xi32>
    %swap3A_807 = vector.shape_cast %add3A_803 : vector<16xi32> to vector<16xi32>
    tpu.vector_store %arg11[%swap3A_804], %swap3A_807 {strides = array<i32>} : memref<512xi32, #tpu.memory_space<vmem>>, vector<16xi32>,
    %get3A_808 = arith.constant 240 : index
    %get3A_809 = tpu.vector_load %arg10[%get3A_808] {strides = array<i32>} : memref<512xi32, #tpu.memory_space<vmem>>, vector<16xi32>,
    %get3A_810 = vector.shape_cast %get3A_809 : vector<16xi32> to vector<16xi32>
    %shift_right_arithmetic3A_811 = arith.constant 14 : i32
    %shift_right_arithmetic3A_812 = vector.broadcast %shift_right_arithmetic3A_811 : i32 to vector<16xi32>
    %shift_right_arithmetic3A_813 = arith.shrsi %get3A_810, %shift_right_arithmetic3A_812 : vector<16xi32>
    %shift_left3A_814 = arith.constant 13 : i32
    %shift_left3A_815 = vector.broadcast %shift_left3A_814 : i32 to vector<16xi32>
    %shift_left3A_816 = arith.shli %shift_right_arithmetic3A_813, %shift_left3A_815 : vector<16xi32>
    %and3A_817 = arith.constant 8191 : i32
    %and3A_818 = vector.broadcast %and3A_817 : i32 to vector<16xi32>
    %and3A_819 = arith.andi %get3A_810, %and3A_818 : vector<16xi32>
    %add3A_820 = arith.addi %shift_left3A_816, %and3A_819 : vector<16xi32>
    %mul3A_821 = arith.constant 2 : i32
    %mul3A_822 = vector.broadcast %mul3A_821 : i32 to vector<16xi32>
    %mul3A_823 = arith.muli %add3A_820, %mul3A_822 : vector<16xi32>
    %shift_right_arithmetic3A_824 = arith.constant 13 : i32
    %shift_right_arithmetic3A_825 = vector.broadcast %shift_right_arithmetic3A_824 : i32 to vector<16xi32>
    %shift_right_arithmetic3A_826 = arith.shrsi %get3A_810, %shift_right_arithmetic3A_825 : vector<16xi32>
    %and3A_827 = arith.constant 1 : i32
    %and3A_828 = vector.broadcast %and3A_827 : i32 to vector<16xi32>
    %and3A_829 = arith.andi %shift_right_arithmetic3A_826, %and3A_828 : vector<16xi32>
    %add3A_830 = arith.addi %mul3A_823, %and3A_829 : vector<16xi32>
    %swap3A_831 = arith.constant 240 : index
    %swap3A_832 = tpu.vector_load %arg10[%swap3A_831] {strides = array<i32>} : memref<512xi32, #tpu.memory_space<vmem>>, vector<16xi32>,
    %swap3A_833 = vector.shape_cast %swap3A_832 : vector<16xi32> to vector<16xi32>
    %swap3A_834 = vector.shape_cast %add3A_830 : vector<16xi32> to vector<16xi32>
    tpu.vector_store %arg10[%swap3A_831], %swap3A_834 {strides = array<i32>} : memref<512xi32, #tpu.memory_space<vmem>>, vector<16xi32>,
    %get3A_835 = arith.constant 240 : index
    %get3A_836 = tpu.vector_load %arg11[%get3A_835] {strides = array<i32>} : memref<512xi32, #tpu.memory_space<vmem>>, vector<16xi32>,
    %get3A_837 = vector.shape_cast %get3A_836 : vector<16xi32> to vector<16xi32>
    %shift_right_arithmetic3A_838 = arith.constant 14 : i32
    %shift_right_arithmetic3A_839 = vector.broadcast %shift_right_arithmetic3A_838 : i32 to vector<16xi32>
    %shift_right_arithmetic3A_840 = arith.shrsi %get3A_837, %shift_right_arithmetic3A_839 : vector<16xi32>
    %shift_left3A_841 = arith.constant 13 : i32
    %shift_left3A_842 = vector.broadcast %shift_left3A_841 : i32 to vector<16xi32>
    %shift_left3A_843 = arith.shli %shift_right_arithmetic3A_840, %shift_left3A_842 : vector<16xi32>
    %and3A_844 = arith.constant 8191 : i32
    %and3A_845 = vector.broadcast %and3A_844 : i32 to vector<16xi32>
    %and3A_846 = arith.andi %get3A_837, %and3A_845 : vector<16xi32>
    %add3A_847 = arith.addi %shift_left3A_843, %and3A_846 : vector<16xi32>
    %mul3A_848 = arith.constant 2 : i32
    %mul3A_849 = vector.broadcast %mul3A_848 : i32 to vector<16xi32>
    %mul3A_850 = arith.muli %add3A_847, %mul3A_849 : vector<16xi32>
    %shift_right_arithmetic3A_851 = arith.constant 13 : i32
    %shift_right_arithmetic3A_852 = vector.broadcast %shift_right_arithmetic3A_851 : i32 to vector<16xi32>
    %shift_right_arithmetic3A_853 = arith.shrsi %get3A_837, %shift_right_arithmetic3A_852 : vector<16xi32>
    %and3A_854 = arith.constant 1 : i32
    %and3A_855 = vector.broadcast %and3A_854 : i32 to vector<16xi32>
    %and3A_856 = arith.andi %shift_right_arithmetic3A_853, %and3A_855 : vector<16xi32>
    %add3A_857 = arith.addi %mul3A_850, %and3A_856 : vector<16xi32>
    %swap3A_858 = arith.constant 240 : index
    %swap3A_859 = tpu.vector_load %arg11[%swap3A_858] {strides = array<i32>} : memref<512xi32, #tpu.memory_space<vmem>>, vector<16xi32>,
    %swap3A_860 = vector.shape_cast %swap3A_859 : vector<16xi32> to vector<16xi32>
    %swap3A_861 = vector.shape_cast %add3A_857 : vector<16xi32> to vector<16xi32>
    tpu.vector_store %arg11[%swap3A_858], %swap3A_861 {strides = array<i32>} : memref<512xi32, #tpu.memory_space<vmem>>, vector<16xi32>,
    %get3A_862 = arith.constant 256 : index
    %get3A_863 = tpu.vector_load %arg10[%get3A_862] {strides = array<i32>} : memref<512xi32, #tpu.memory_space<vmem>>, vector<16xi32>,
    %get3A_864 = vector.shape_cast %get3A_863 : vector<16xi32> to vector<16xi32>
    %shift_right_arithmetic3A_865 = arith.constant 14 : i32
    %shift_right_arithmetic3A_866 = vector.broadcast %shift_right_arithmetic3A_865 : i32 to vector<16xi32>
    %shift_right_arithmetic3A_867 = arith.shrsi %get3A_864, %shift_right_arithmetic3A_866 : vector<16xi32>
    %shift_left3A_868 = arith.constant 13 : i32
    %shift_left3A_869 = vector.broadcast %shift_left3A_868 : i32 to vector<16xi32>
    %shift_left3A_870 = arith.shli %shift_right_arithmetic3A_867, %shift_left3A_869 : vector<16xi32>
    %and3A_871 = arith.constant 8191 : i32
    %and3A_872 = vector.broadcast %and3A_871 : i32 to vector<16xi32>
    %and3A_873 = arith.andi %get3A_864, %and3A_872 : vector<16xi32>
    %add3A_874 = arith.addi %shift_left3A_870, %and3A_873 : vector<16xi32>
    %mul3A_875 = arith.constant 2 : i32
    %mul3A_876 = vector.broadcast %mul3A_875 : i32 to vector<16xi32>
    %mul3A_877 = arith.muli %add3A_874, %mul3A_876 : vector<16xi32>
    %shift_right_arithmetic3A_878 = arith.constant 13 : i32
    %shift_right_arithmetic3A_879 = vector.broadcast %shift_right_arithmetic3A_878 : i32 to vector<16xi32>
    %shift_right_arithmetic3A_880 = arith.shrsi %get3A_864, %shift_right_arithmetic3A_879 : vector<16xi32>
    %and3A_881 = arith.constant 1 : i32
    %and3A_882 = vector.broadcast %and3A_881 : i32 to vector<16xi32>
    %and3A_883 = arith.andi %shift_right_arithmetic3A_880, %and3A_882 : vector<16xi32>
    %add3A_884 = arith.addi %mul3A_877, %and3A_883 : vector<16xi32>
    %swap3A_885 = arith.constant 256 : index
    %swap3A_886 = tpu.vector_load %arg10[%swap3A_885] {strides = array<i32>} : memref<512xi32, #tpu.memory_space<vmem>>, vector<16xi32>,
    %swap3A_887 = vector.shape_cast %swap3A_886 : vector<16xi32> to vector<16xi32>
    %swap3A_888 = vector.shape_cast %add3A_884 : vector<16xi32> to vector<16xi32>
    tpu.vector_store %arg10[%swap3A_885], %swap3A_888 {strides = array<i32>} : memref<512xi32, #tpu.memory_space<vmem>>, vector<16xi32>,
    %get3A_889 = arith.constant 256 : index
    %get3A_890 = tpu.vector_load %arg11[%get3A_889] {strides = array<i32>} : memref<512xi32, #tpu.memory_space<vmem>>, vector<16xi32>,
    %get3A_891 = vector.shape_cast %get3A_890 : vector<16xi32> to vector<16xi32>
    %shift_right_arithmetic3A_892 = arith.constant 14 : i32
    %shift_right_arithmetic3A_893 = vector.broadcast %shift_right_arithmetic3A_892 : i32 to vector<16xi32>
    %shift_right_arithmetic3A_894 = arith.shrsi %get3A_891, %shift_right_arithmetic3A_893 : vector<16xi32>
    %shift_left3A_895 = arith.constant 13 : i32
    %shift_left3A_896 = vector.broadcast %shift_left3A_895 : i32 to vector<16xi32>
    %shift_left3A_897 = arith.shli %shift_right_arithmetic3A_894, %shift_left3A_896 : vector<16xi32>
    %and3A_898 = arith.constant 8191 : i32
    %and3A_899 = vector.broadcast %and3A_898 : i32 to vector<16xi32>
    %and3A_900 = arith.andi %get3A_891, %and3A_899 : vector<16xi32>
    %add3A_901 = arith.addi %shift_left3A_897, %and3A_900 : vector<16xi32>
    %mul3A_902 = arith.constant 2 : i32
    %mul3A_903 = vector.broadcast %mul3A_902 : i32 to vector<16xi32>
    %mul3A_904 = arith.muli %add3A_901, %mul3A_903 : vector<16xi32>
    %shift_right_arithmetic3A_905 = arith.constant 13 : i32
    %shift_right_arithmetic3A_906 = vector.broadcast %shift_right_arithmetic3A_905 : i32 to vector<16xi32>
    %shift_right_arithmetic3A_907 = arith.shrsi %get3A_891, %shift_right_arithmetic3A_906 : vector<16xi32>
    %and3A_908 = arith.constant 1 : i32
    %and3A_909 = vector.broadcast %and3A_908 : i32 to vector<16xi32>
    %and3A_910 = arith.andi %shift_right_arithmetic3A_907, %and3A_909 : vector<16xi32>
    %add3A_911 = arith.addi %mul3A_904, %and3A_910 : vector<16xi32>
    %swap3A_912 = arith.constant 256 : index
    %swap3A_913 = tpu.vector_load %arg11[%swap3A_912] {strides = array<i32>} : memref<512xi32, #tpu.memory_space<vmem>>, vector<16xi32>,
    %swap3A_914 = vector.shape_cast %swap3A_913 : vector<16xi32> to vector<16xi32>
    %swap3A_915 = vector.shape_cast %add3A_911 : vector<16xi32> to vector<16xi32>
    tpu.vector_store %arg11[%swap3A_912], %swap3A_915 {strides = array<i32>} : memref<512xi32, #tpu.memory_space<vmem>>, vector<16xi32>,
    %get3A_916 = arith.constant 272 : index
    %get3A_917 = tpu.vector_load %arg10[%get3A_916] {strides = array<i32>} : memref<512xi32, #tpu.memory_space<vmem>>, vector<16xi32>,
    %get3A_918 = vector.shape_cast %get3A_917 : vector<16xi32> to vector<16xi32>
    %shift_right_arithmetic3A_919 = arith.constant 14 : i32
    %shift_right_arithmetic3A_920 = vector.broadcast %shift_right_arithmetic3A_919 : i32 to vector<16xi32>
    %shift_right_arithmetic3A_921 = arith.shrsi %get3A_918, %shift_right_arithmetic3A_920 : vector<16xi32>
    %shift_left3A_922 = arith.constant 13 : i32
    %shift_left3A_923 = vector.broadcast %shift_left3A_922 : i32 to vector<16xi32>
    %shift_left3A_924 = arith.shli %shift_right_arithmetic3A_921, %shift_left3A_923 : vector<16xi32>
    %and3A_925 = arith.constant 8191 : i32
    %and3A_926 = vector.broadcast %and3A_925 : i32 to vector<16xi32>
    %and3A_927 = arith.andi %get3A_918, %and3A_926 : vector<16xi32>
    %add3A_928 = arith.addi %shift_left3A_924, %and3A_927 : vector<16xi32>
    %mul3A_929 = arith.constant 2 : i32
    %mul3A_930 = vector.broadcast %mul3A_929 : i32 to vector<16xi32>
    %mul3A_931 = arith.muli %add3A_928, %mul3A_930 : vector<16xi32>
    %shift_right_arithmetic3A_932 = arith.constant 13 : i32
    %shift_right_arithmetic3A_933 = vector.broadcast %shift_right_arithmetic3A_932 : i32 to vector<16xi32>
    %shift_right_arithmetic3A_934 = arith.shrsi %get3A_918, %shift_right_arithmetic3A_933 : vector<16xi32>
    %and3A_935 = arith.constant 1 : i32
    %and3A_936 = vector.broadcast %and3A_935 : i32 to vector<16xi32>
    %and3A_937 = arith.andi %shift_right_arithmetic3A_934, %and3A_936 : vector<16xi32>
    %add3A_938 = arith.addi %mul3A_931, %and3A_937 : vector<16xi32>
    %swap3A_939 = arith.constant 272 : index
    %swap3A_940 = tpu.vector_load %arg10[%swap3A_939] {strides = array<i32>} : memref<512xi32, #tpu.memory_space<vmem>>, vector<16xi32>,
    %swap3A_941 = vector.shape_cast %swap3A_940 : vector<16xi32> to vector<16xi32>
    %swap3A_942 = vector.shape_cast %add3A_938 : vector<16xi32> to vector<16xi32>
    tpu.vector_store %arg10[%swap3A_939], %swap3A_942 {strides = array<i32>} : memref<512xi32, #tpu.memory_space<vmem>>, vector<16xi32>,
    %get3A_943 = arith.constant 272 : index
    %get3A_944 = tpu.vector_load %arg11[%get3A_943] {strides = array<i32>} : memref<512xi32, #tpu.memory_space<vmem>>, vector<16xi32>,
    %get3A_945 = vector.shape_cast %get3A_944 : vector<16xi32> to vector<16xi32>
    %shift_right_arithmetic3A_946 = arith.constant 14 : i32
    %shift_right_arithmetic3A_947 = vector.broadcast %shift_right_arithmetic3A_946 : i32 to vector<16xi32>
    %shift_right_arithmetic3A_948 = arith.shrsi %get3A_945, %shift_right_arithmetic3A_947 : vector<16xi32>
    %shift_left3A_949 = arith.constant 13 : i32
    %shift_left3A_950 = vector.broadcast %shift_left3A_949 : i32 to vector<16xi32>
    %shift_left3A_951 = arith.shli %shift_right_arithmetic3A_948, %shift_left3A_950 : vector<16xi32>
    %and3A_952 = arith.constant 8191 : i32
    %and3A_953 = vector.broadcast %and3A_952 : i32 to vector<16xi32>
    %and3A_954 = arith.andi %get3A_945, %and3A_953 : vector<16xi32>
    %add3A_955 = arith.addi %shift_left3A_951, %and3A_954 : vector<16xi32>
    %mul3A_956 = arith.constant 2 : i32
    %mul3A_957 = vector.broadcast %mul3A_956 : i32 to vector<16xi32>
    %mul3A_958 = arith.muli %add3A_955, %mul3A_957 : vector<16xi32>
    %shift_right_arithmetic3A_959 = arith.constant 13 : i32
    %shift_right_arithmetic3A_960 = vector.broadcast %shift_right_arithmetic3A_959 : i32 to vector<16xi32>
    %shift_right_arithmetic3A_961 = arith.shrsi %get3A_945, %shift_right_arithmetic3A_960 : vector<16xi32>
    %and3A_962 = arith.constant 1 : i32
    %and3A_963 = vector.broadcast %and3A_962 : i32 to vector<16xi32>
    %and3A_964 = arith.andi %shift_right_arithmetic3A_961, %and3A_963 : vector<16xi32>
    %add3A_965 = arith.addi %mul3A_958, %and3A_964 : vector<16xi32>
    %swap3A_966 = arith.constant 272 : index
    %swap3A_967 = tpu.vector_load %arg11[%swap3A_966] {strides = array<i32>} : memref<512xi32, #tpu.memory_space<vmem>>, vector<16xi32>,
    %swap3A_968 = vector.shape_cast %swap3A_967 : vector<16xi32> to vector<16xi32>
    %swap3A_969 = vector.shape_cast %add3A_965 : vector<16xi32> to vector<16xi32>
    tpu.vector_store %arg11[%swap3A_966], %swap3A_969 {strides = array<i32>} : memref<512xi32, #tpu.memory_space<vmem>>, vector<16xi32>,
    %get3A_970 = arith.constant 288 : index
    %get3A_971 = tpu.vector_load %arg10[%get3A_970] {strides = array<i32>} : memref<512xi32, #tpu.memory_space<vmem>>, vector<16xi32>,
    %get3A_972 = vector.shape_cast %get3A_971 : vector<16xi32> to vector<16xi32>
    %shift_right_arithmetic3A_973 = arith.constant 14 : i32
    %shift_right_arithmetic3A_974 = vector.broadcast %shift_right_arithmetic3A_973 : i32 to vector<16xi32>
    %shift_right_arithmetic3A_975 = arith.shrsi %get3A_972, %shift_right_arithmetic3A_974 : vector<16xi32>
    %shift_left3A_976 = arith.constant 13 : i32
    %shift_left3A_977 = vector.broadcast %shift_left3A_976 : i32 to vector<16xi32>
    %shift_left3A_978 = arith.shli %shift_right_arithmetic3A_975, %shift_left3A_977 : vector<16xi32>
    %and3A_979 = arith.constant 8191 : i32
    %and3A_980 = vector.broadcast %and3A_979 : i32 to vector<16xi32>
    %and3A_981 = arith.andi %get3A_972, %and3A_980 : vector<16xi32>
    %add3A_982 = arith.addi %shift_left3A_978, %and3A_981 : vector<16xi32>
    %mul3A_983 = arith.constant 2 : i32
    %mul3A_984 = vector.broadcast %mul3A_983 : i32 to vector<16xi32>
    %mul3A_985 = arith.muli %add3A_982, %mul3A_984 : vector<16xi32>
    %shift_right_arithmetic3A_986 = arith.constant 13 : i32
    %shift_right_arithmetic3A_987 = vector.broadcast %shift_right_arithmetic3A_986 : i32 to vector<16xi32>
    %shift_right_arithmetic3A_988 = arith.shrsi %get3A_972, %shift_right_arithmetic3A_987 : vector<16xi32>
    %and3A_989 = arith.constant 1 : i32
    %and3A_990 = vector.broadcast %and3A_989 : i32 to vector<16xi32>
    %and3A_991 = arith.andi %shift_right_arithmetic3A_988, %and3A_990 : vector<16xi32>
    %add3A_992 = arith.addi %mul3A_985, %and3A_991 : vector<16xi32>
    %swap3A_993 = arith.constant 288 : index
    %swap3A_994 = tpu.vector_load %arg10[%swap3A_993] {strides = array<i32>} : memref<512xi32, #tpu.memory_space<vmem>>, vector<16xi32>,
    %swap3A_995 = vector.shape_cast %swap3A_994 : vector<16xi32> to vector<16xi32>
    %swap3A_996 = vector.shape_cast %add3A_992 : vector<16xi32> to vector<16xi32>
    tpu.vector_store %arg10[%swap3A_993], %swap3A_996 {strides = array<i32>} : memref<512xi32, #tpu.memory_space<vmem>>, vector<16xi32>,
    %get3A_997 = arith.constant 288 : index
    %get3A_998 = tpu.vector_load %arg11[%get3A_997] {strides = array<i32>} : memref<512xi32, #tpu.memory_space<vmem>>, vector<16xi32>,
    %get3A_999 = vector.shape_cast %get3A_998 : vector<16xi32> to vector<16xi32>
    %shift_right_arithmetic3A_1000 = arith.constant 14 : i32
    %shift_right_arithmetic3A_1001 = vector.broadcast %shift_right_arithmetic3A_1000 : i32 to vector<16xi32>
    %shift_right_arithmetic3A_1002 = arith.shrsi %get3A_999, %shift_right_arithmetic3A_1001 : vector<16xi32>
    %shift_left3A_1003 = arith.constant 13 : i32
    %shift_left3A_1004 = vector.broadcast %shift_left3A_1003 : i32 to vector<16xi32>
    %shift_left3A_1005 = arith.shli %shift_right_arithmetic3A_1002, %shift_left3A_1004 : vector<16xi32>
    %and3A_1006 = arith.constant 8191 : i32
    %and3A_1007 = vector.broadcast %and3A_1006 : i32 to vector<16xi32>
    %and3A_1008 = arith.andi %get3A_999, %and3A_1007 : vector<16xi32>
    %add3A_1009 = arith.addi %shift_left3A_1005, %and3A_1008 : vector<16xi32>
    %mul3A_1010 = arith.constant 2 : i32
    %mul3A_1011 = vector.broadcast %mul3A_1010 : i32 to vector<16xi32>
    %mul3A_1012 = arith.muli %add3A_1009, %mul3A_1011 : vector<16xi32>
    %shift_right_arithmetic3A_1013 = arith.constant 13 : i32
    %shift_right_arithmetic3A_1014 = vector.broadcast %shift_right_arithmetic3A_1013 : i32 to vector<16xi32>
    %shift_right_arithmetic3A_1015 = arith.shrsi %get3A_999, %shift_right_arithmetic3A_1014 : vector<16xi32>
    %and3A_1016 = arith.constant 1 : i32
    %and3A_1017 = vector.broadcast %and3A_1016 : i32 to vector<16xi32>
    %and3A_1018 = arith.andi %shift_right_arithmetic3A_1015, %and3A_1017 : vector<16xi32>
    %add3A_1019 = arith.addi %mul3A_1012, %and3A_1018 : vector<16xi32>
    %swap3A_1020 = arith.constant 288 : index
    %swap3A_1021 = tpu.vector_load %arg11[%swap3A_1020] {strides = array<i32>} : memref<512xi32, #tpu.memory_space<vmem>>, vector<16xi32>,
    %swap3A_1022 = vector.shape_cast %swap3A_1021 : vector<16xi32> to vector<16xi32>
    %swap3A_1023 = vector.shape_cast %add3A_1019 : vector<16xi32> to vector<16xi32>
    tpu.vector_store %arg11[%swap3A_1020], %swap3A_1023 {strides = array<i32>} : memref<512xi32, #tpu.memory_space<vmem>>, vector<16xi32>,
    %get3A_1024 = arith.constant 304 : index
    %get3A_1025 = tpu.vector_load %arg10[%get3A_1024] {strides = array<i32>} : memref<512xi32, #tpu.memory_space<vmem>>, vector<16xi32>,
    %get3A_1026 = vector.shape_cast %get3A_1025 : vector<16xi32> to vector<16xi32>
    %shift_right_arithmetic3A_1027 = arith.constant 14 : i32
    %shift_right_arithmetic3A_1028 = vector.broadcast %shift_right_arithmetic3A_1027 : i32 to vector<16xi32>
    %shift_right_arithmetic3A_1029 = arith.shrsi %get3A_1026, %shift_right_arithmetic3A_1028 : vector<16xi32>
    %shift_left3A_1030 = arith.constant 13 : i32
    %shift_left3A_1031 = vector.broadcast %shift_left3A_1030 : i32 to vector<16xi32>
    %shift_left3A_1032 = arith.shli %shift_right_arithmetic3A_1029, %shift_left3A_1031 : vector<16xi32>
    %and3A_1033 = arith.constant 8191 : i32
    %and3A_1034 = vector.broadcast %and3A_1033 : i32 to vector<16xi32>
    %and3A_1035 = arith.andi %get3A_1026, %and3A_1034 : vector<16xi32>
    %add3A_1036 = arith.addi %shift_left3A_1032, %and3A_1035 : vector<16xi32>
    %mul3A_1037 = arith.constant 2 : i32
    %mul3A_1038 = vector.broadcast %mul3A_1037 : i32 to vector<16xi32>
    %mul3A_1039 = arith.muli %add3A_1036, %mul3A_1038 : vector<16xi32>
    %shift_right_arithmetic3A_1040 = arith.constant 13 : i32
    %shift_right_arithmetic3A_1041 = vector.broadcast %shift_right_arithmetic3A_1040 : i32 to vector<16xi32>
    %shift_right_arithmetic3A_1042 = arith.shrsi %get3A_1026, %shift_right_arithmetic3A_1041 : vector<16xi32>
    %and3A_1043 = arith.constant 1 : i32
    %and3A_1044 = vector.broadcast %and3A_1043 : i32 to vector<16xi32>
    %and3A_1045 = arith.andi %shift_right_arithmetic3A_1042, %and3A_1044 : vector<16xi32>
    %add3A_1046 = arith.addi %mul3A_1039, %and3A_1045 : vector<16xi32>
    %swap3A_1047 = arith.constant 304 : index
    %swap3A_1048 = tpu.vector_load %arg10[%swap3A_1047] {strides = array<i32>} : memref<512xi32, #tpu.memory_space<vmem>>, vector<16xi32>,
    %swap3A_1049 = vector.shape_cast %swap3A_1048 : vector<16xi32> to vector<16xi32>
    %swap3A_1050 = vector.shape_cast %add3A_1046 : vector<16xi32> to vector<16xi32>
    tpu.vector_store %arg10[%swap3A_1047], %swap3A_1050 {strides = array<i32>} : memref<512xi32, #tpu.memory_space<vmem>>, vector<16xi32>,
    %get3A_1051 = arith.constant 304 : index
    %get3A_1052 = tpu.vector_load %arg11[%get3A_1051] {strides = array<i32>} : memref<512xi32, #tpu.memory_space<vmem>>, vector<16xi32>,
    %get3A_1053 = vector.shape_cast %get3A_1052 : vector<16xi32> to vector<16xi32>
    %shift_right_arithmetic3A_1054 = arith.constant 14 : i32
    %shift_right_arithmetic3A_1055 = vector.broadcast %shift_right_arithmetic3A_1054 : i32 to vector<16xi32>
    %shift_right_arithmetic3A_1056 = arith.shrsi %get3A_1053, %shift_right_arithmetic3A_1055 : vector<16xi32>
    %shift_left3A_1057 = arith.constant 13 : i32
    %shift_left3A_1058 = vector.broadcast %shift_left3A_1057 : i32 to vector<16xi32>
    %shift_left3A_1059 = arith.shli %shift_right_arithmetic3A_1056, %shift_left3A_1058 : vector<16xi32>
    %and3A_1060 = arith.constant 8191 : i32
    %and3A_1061 = vector.broadcast %and3A_1060 : i32 to vector<16xi32>
    %and3A_1062 = arith.andi %get3A_1053, %and3A_1061 : vector<16xi32>
    %add3A_1063 = arith.addi %shift_left3A_1059, %and3A_1062 : vector<16xi32>
    %mul3A_1064 = arith.constant 2 : i32
    %mul3A_1065 = vector.broadcast %mul3A_1064 : i32 to vector<16xi32>
    %mul3A_1066 = arith.muli %add3A_1063, %mul3A_1065 : vector<16xi32>
    %shift_right_arithmetic3A_1067 = arith.constant 13 : i32
    %shift_right_arithmetic3A_1068 = vector.broadcast %shift_right_arithmetic3A_1067 : i32 to vector<16xi32>
    %shift_right_arithmetic3A_1069 = arith.shrsi %get3A_1053, %shift_right_arithmetic3A_1068 : vector<16xi32>
    %and3A_1070 = arith.constant 1 : i32
    %and3A_1071 = vector.broadcast %and3A_1070 : i32 to vector<16xi32>
    %and3A_1072 = arith.andi %shift_right_arithmetic3A_1069, %and3A_1071 : vector<16xi32>
    %add3A_1073 = arith.addi %mul3A_1066, %and3A_1072 : vector<16xi32>
    %swap3A_1074 = arith.constant 304 : index
    %swap3A_1075 = tpu.vector_load %arg11[%swap3A_1074] {strides = array<i32>} : memref<512xi32, #tpu.memory_space<vmem>>, vector<16xi32>,
    %swap3A_1076 = vector.shape_cast %swap3A_1075 : vector<16xi32> to vector<16xi32>
    %swap3A_1077 = vector.shape_cast %add3A_1073 : vector<16xi32> to vector<16xi32>
    tpu.vector_store %arg11[%swap3A_1074], %swap3A_1077 {strides = array<i32>} : memref<512xi32, #tpu.memory_space<vmem>>, vector<16xi32>,
    %get3A_1078 = arith.constant 320 : index
    %get3A_1079 = tpu.vector_load %arg10[%get3A_1078] {strides = array<i32>} : memref<512xi32, #tpu.memory_space<vmem>>, vector<16xi32>,
    %get3A_1080 = vector.shape_cast %get3A_1079 : vector<16xi32> to vector<16xi32>
    %shift_right_arithmetic3A_1081 = arith.constant 14 : i32
    %shift_right_arithmetic3A_1082 = vector.broadcast %shift_right_arithmetic3A_1081 : i32 to vector<16xi32>
    %shift_right_arithmetic3A_1083 = arith.shrsi %get3A_1080, %shift_right_arithmetic3A_1082 : vector<16xi32>
    %shift_left3A_1084 = arith.constant 13 : i32
    %shift_left3A_1085 = vector.broadcast %shift_left3A_1084 : i32 to vector<16xi32>
    %shift_left3A_1086 = arith.shli %shift_right_arithmetic3A_1083, %shift_left3A_1085 : vector<16xi32>
    %and3A_1087 = arith.constant 8191 : i32
    %and3A_1088 = vector.broadcast %and3A_1087 : i32 to vector<16xi32>
    %and3A_1089 = arith.andi %get3A_1080, %and3A_1088 : vector<16xi32>
    %add3A_1090 = arith.addi %shift_left3A_1086, %and3A_1089 : vector<16xi32>
    %mul3A_1091 = arith.constant 2 : i32
    %mul3A_1092 = vector.broadcast %mul3A_1091 : i32 to vector<16xi32>
    %mul3A_1093 = arith.muli %add3A_1090, %mul3A_1092 : vector<16xi32>
    %shift_right_arithmetic3A_1094 = arith.constant 13 : i32
    %shift_right_arithmetic3A_1095 = vector.broadcast %shift_right_arithmetic3A_1094 : i32 to vector<16xi32>
    %shift_right_arithmetic3A_1096 = arith.shrsi %get3A_1080, %shift_right_arithmetic3A_1095 : vector<16xi32>
    %and3A_1097 = arith.constant 1 : i32
    %and3A_1098 = vector.broadcast %and3A_1097 : i32 to vector<16xi32>
    %and3A_1099 = arith.andi %shift_right_arithmetic3A_1096, %and3A_1098 : vector<16xi32>
    %add3A_1100 = arith.addi %mul3A_1093, %and3A_1099 : vector<16xi32>
    %swap3A_1101 = arith.constant 320 : index
    %swap3A_1102 = tpu.vector_load %arg10[%swap3A_1101] {strides = array<i32>} : memref<512xi32, #tpu.memory_space<vmem>>, vector<16xi32>,
    %swap3A_1103 = vector.shape_cast %swap3A_1102 : vector<16xi32> to vector<16xi32>
    %swap3A_1104 = vector.shape_cast %add3A_1100 : vector<16xi32> to vector<16xi32>
    tpu.vector_store %arg10[%swap3A_1101], %swap3A_1104 {strides = array<i32>} : memref<512xi32, #tpu.memory_space<vmem>>, vector<16xi32>,
    %get3A_1105 = arith.constant 320 : index
    %get3A_1106 = tpu.vector_load %arg11[%get3A_1105] {strides = array<i32>} : memref<512xi32, #tpu.memory_space<vmem>>, vector<16xi32>,
    %get3A_1107 = vector.shape_cast %get3A_1106 : vector<16xi32> to vector<16xi32>
    %shift_right_arithmetic3A_1108 = arith.constant 14 : i32
    %shift_right_arithmetic3A_1109 = vector.broadcast %shift_right_arithmetic3A_1108 : i32 to vector<16xi32>
    %shift_right_arithmetic3A_1110 = arith.shrsi %get3A_1107, %shift_right_arithmetic3A_1109 : vector<16xi32>
    %shift_left3A_1111 = arith.constant 13 : i32
    %shift_left3A_1112 = vector.broadcast %shift_left3A_1111 : i32 to vector<16xi32>
    %shift_left3A_1113 = arith.shli %shift_right_arithmetic3A_1110, %shift_left3A_1112 : vector<16xi32>
    %and3A_1114 = arith.constant 8191 : i32
    %and3A_1115 = vector.broadcast %and3A_1114 : i32 to vector<16xi32>
    %and3A_1116 = arith.andi %get3A_1107, %and3A_1115 : vector<16xi32>
    %add3A_1117 = arith.addi %shift_left3A_1113, %and3A_1116 : vector<16xi32>
    %mul3A_1118 = arith.constant 2 : i32
    %mul3A_1119 = vector.broadcast %mul3A_1118 : i32 to vector<16xi32>
    %mul3A_1120 = arith.muli %add3A_1117, %mul3A_1119 : vector<16xi32>
    %shift_right_arithmetic3A_1121 = arith.constant 13 : i32
    %shift_right_arithmetic3A_1122 = vector.broadcast %shift_right_arithmetic3A_1121 : i32 to vector<16xi32>
    %shift_right_arithmetic3A_1123 = arith.shrsi %get3A_1107, %shift_right_arithmetic3A_1122 : vector<16xi32>
    %and3A_1124 = arith.constant 1 : i32
    %and3A_1125 = vector.broadcast %and3A_1124 : i32 to vector<16xi32>
    %and3A_1126 = arith.andi %shift_right_arithmetic3A_1123, %and3A_1125 : vector<16xi32>
    %add3A_1127 = arith.addi %mul3A_1120, %and3A_1126 : vector<16xi32>
    %swap3A_1128 = arith.constant 320 : index
    %swap3A_1129 = tpu.vector_load %arg11[%swap3A_1128] {strides = array<i32>} : memref<512xi32, #tpu.memory_space<vmem>>, vector<16xi32>,
    %swap3A_1130 = vector.shape_cast %swap3A_1129 : vector<16xi32> to vector<16xi32>
    %swap3A_1131 = vector.shape_cast %add3A_1127 : vector<16xi32> to vector<16xi32>
    tpu.vector_store %arg11[%swap3A_1128], %swap3A_1131 {strides = array<i32>} : memref<512xi32, #tpu.memory_space<vmem>>, vector<16xi32>,
    %get3A_1132 = arith.constant 336 : index
    %get3A_1133 = tpu.vector_load %arg10[%get3A_1132] {strides = array<i32>} : memref<512xi32, #tpu.memory_space<vmem>>, vector<16xi32>,
    %get3A_1134 = vector.shape_cast %get3A_1133 : vector<16xi32> to vector<16xi32>
    %shift_right_arithmetic3A_1135 = arith.constant 14 : i32
    %shift_right_arithmetic3A_1136 = vector.broadcast %shift_right_arithmetic3A_1135 : i32 to vector<16xi32>
    %shift_right_arithmetic3A_1137 = arith.shrsi %get3A_1134, %shift_right_arithmetic3A_1136 : vector<16xi32>
    %shift_left3A_1138 = arith.constant 13 : i32
    %shift_left3A_1139 = vector.broadcast %shift_left3A_1138 : i32 to vector<16xi32>
    %shift_left3A_1140 = arith.shli %shift_right_arithmetic3A_1137, %shift_left3A_1139 : vector<16xi32>
    %and3A_1141 = arith.constant 8191 : i32
    %and3A_1142 = vector.broadcast %and3A_1141 : i32 to vector<16xi32>
    %and3A_1143 = arith.andi %get3A_1134, %and3A_1142 : vector<16xi32>
    %add3A_1144 = arith.addi %shift_left3A_1140, %and3A_1143 : vector<16xi32>
    %mul3A_1145 = arith.constant 2 : i32
    %mul3A_1146 = vector.broadcast %mul3A_1145 : i32 to vector<16xi32>
    %mul3A_1147 = arith.muli %add3A_1144, %mul3A_1146 : vector<16xi32>
    %shift_right_arithmetic3A_1148 = arith.constant 13 : i32
    %shift_right_arithmetic3A_1149 = vector.broadcast %shift_right_arithmetic3A_1148 : i32 to vector<16xi32>
    %shift_right_arithmetic3A_1150 = arith.shrsi %get3A_1134, %shift_right_arithmetic3A_1149 : vector<16xi32>
    %and3A_1151 = arith.constant 1 : i32
    %and3A_1152 = vector.broadcast %and3A_1151 : i32 to vector<16xi32>
    %and3A_1153 = arith.andi %shift_right_arithmetic3A_1150, %and3A_1152 : vector<16xi32>
    %add3A_1154 = arith.addi %mul3A_1147, %and3A_1153 : vector<16xi32>
    %swap3A_1155 = arith.constant 336 : index
    %swap3A_1156 = tpu.vector_load %arg10[%swap3A_1155] {strides = array<i32>} : memref<512xi32, #tpu.memory_space<vmem>>, vector<16xi32>,
    %swap3A_1157 = vector.shape_cast %swap3A_1156 : vector<16xi32> to vector<16xi32>
    %swap3A_1158 = vector.shape_cast %add3A_1154 : vector<16xi32> to vector<16xi32>
    tpu.vector_store %arg10[%swap3A_1155], %swap3A_1158 {strides = array<i32>} : memref<512xi32, #tpu.memory_space<vmem>>, vector<16xi32>,
    %get3A_1159 = arith.constant 336 : index
    %get3A_1160 = tpu.vector_load %arg11[%get3A_1159] {strides = array<i32>} : memref<512xi32, #tpu.memory_space<vmem>>, vector<16xi32>,
    %get3A_1161 = vector.shape_cast %get3A_1160 : vector<16xi32> to vector<16xi32>
    %shift_right_arithmetic3A_1162 = arith.constant 14 : i32
    %shift_right_arithmetic3A_1163 = vector.broadcast %shift_right_arithmetic3A_1162 : i32 to vector<16xi32>
    %shift_right_arithmetic3A_1164 = arith.shrsi %get3A_1161, %shift_right_arithmetic3A_1163 : vector<16xi32>
    %shift_left3A_1165 = arith.constant 13 : i32
    %shift_left3A_1166 = vector.broadcast %shift_left3A_1165 : i32 to vector<16xi32>
    %shift_left3A_1167 = arith.shli %shift_right_arithmetic3A_1164, %shift_left3A_1166 : vector<16xi32>
    %and3A_1168 = arith.constant 8191 : i32
    %and3A_1169 = vector.broadcast %and3A_1168 : i32 to vector<16xi32>
    %and3A_1170 = arith.andi %get3A_1161, %and3A_1169 : vector<16xi32>
    %add3A_1171 = arith.addi %shift_left3A_1167, %and3A_1170 : vector<16xi32>
    %mul3A_1172 = arith.constant 2 : i32
    %mul3A_1173 = vector.broadcast %mul3A_1172 : i32 to vector<16xi32>
    %mul3A_1174 = arith.muli %add3A_1171, %mul3A_1173 : vector<16xi32>
    %shift_right_arithmetic3A_1175 = arith.constant 13 : i32
    %shift_right_arithmetic3A_1176 = vector.broadcast %shift_right_arithmetic3A_1175 : i32 to vector<16xi32>
    %shift_right_arithmetic3A_1177 = arith.shrsi %get3A_1161, %shift_right_arithmetic3A_1176 : vector<16xi32>
    %and3A_1178 = arith.constant 1 : i32
    %and3A_1179 = vector.broadcast %and3A_1178 : i32 to vector<16xi32>
    %and3A_1180 = arith.andi %shift_right_arithmetic3A_1177, %and3A_1179 : vector<16xi32>
    %add3A_1181 = arith.addi %mul3A_1174, %and3A_1180 : vector<16xi32>
    %swap3A_1182 = arith.constant 336 : index
    %swap3A_1183 = tpu.vector_load %arg11[%swap3A_1182] {strides = array<i32>} : memref<512xi32, #tpu.memory_space<vmem>>, vector<16xi32>,
    %swap3A_1184 = vector.shape_cast %swap3A_1183 : vector<16xi32> to vector<16xi32>
    %swap3A_1185 = vector.shape_cast %add3A_1181 : vector<16xi32> to vector<16xi32>
    tpu.vector_store %arg11[%swap3A_1182], %swap3A_1185 {strides = array<i32>} : memref<512xi32, #tpu.memory_space<vmem>>, vector<16xi32>,
    %get3A_1186 = arith.constant 352 : index
    %get3A_1187 = tpu.vector_load %arg10[%get3A_1186] {strides = array<i32>} : memref<512xi32, #tpu.memory_space<vmem>>, vector<16xi32>,
    %get3A_1188 = vector.shape_cast %get3A_1187 : vector<16xi32> to vector<16xi32>
    %shift_right_arithmetic3A_1189 = arith.constant 14 : i32
    %shift_right_arithmetic3A_1190 = vector.broadcast %shift_right_arithmetic3A_1189 : i32 to vector<16xi32>
    %shift_right_arithmetic3A_1191 = arith.shrsi %get3A_1188, %shift_right_arithmetic3A_1190 : vector<16xi32>
    %shift_left3A_1192 = arith.constant 13 : i32
    %shift_left3A_1193 = vector.broadcast %shift_left3A_1192 : i32 to vector<16xi32>
    %shift_left3A_1194 = arith.shli %shift_right_arithmetic3A_1191, %shift_left3A_1193 : vector<16xi32>
    %and3A_1195 = arith.constant 8191 : i32
    %and3A_1196 = vector.broadcast %and3A_1195 : i32 to vector<16xi32>
    %and3A_1197 = arith.andi %get3A_1188, %and3A_1196 : vector<16xi32>
    %add3A_1198 = arith.addi %shift_left3A_1194, %and3A_1197 : vector<16xi32>
    %mul3A_1199 = arith.constant 2 : i32
    %mul3A_1200 = vector.broadcast %mul3A_1199 : i32 to vector<16xi32>
    %mul3A_1201 = arith.muli %add3A_1198, %mul3A_1200 : vector<16xi32>
    %shift_right_arithmetic3A_1202 = arith.constant 13 : i32
    %shift_right_arithmetic3A_1203 = vector.broadcast %shift_right_arithmetic3A_1202 : i32 to vector<16xi32>
    %shift_right_arithmetic3A_1204 = arith.shrsi %get3A_1188, %shift_right_arithmetic3A_1203 : vector<16xi32>
    %and3A_1205 = arith.constant 1 : i32
    %and3A_1206 = vector.broadcast %and3A_1205 : i32 to vector<16xi32>
    %and3A_1207 = arith.andi %shift_right_arithmetic3A_1204, %and3A_1206 : vector<16xi32>
    %add3A_1208 = arith.addi %mul3A_1201, %and3A_1207 : vector<16xi32>
    %swap3A_1209 = arith.constant 352 : index
    %swap3A_1210 = tpu.vector_load %arg10[%swap3A_1209] {strides = array<i32>} : memref<512xi32, #tpu.memory_space<vmem>>, vector<16xi32>,
    %swap3A_1211 = vector.shape_cast %swap3A_1210 : vector<16xi32> to vector<16xi32>
    %swap3A_1212 = vector.shape_cast %add3A_1208 : vector<16xi32> to vector<16xi32>
    tpu.vector_store %arg10[%swap3A_1209], %swap3A_1212 {strides = array<i32>} : memref<512xi32, #tpu.memory_space<vmem>>, vector<16xi32>,
    %get3A_1213 = arith.constant 352 : index
    %get3A_1214 = tpu.vector_load %arg11[%get3A_1213] {strides = array<i32>} : memref<512xi32, #tpu.memory_space<vmem>>, vector<16xi32>,
    %get3A_1215 = vector.shape_cast %get3A_1214 : vector<16xi32> to vector<16xi32>
    %shift_right_arithmetic3A_1216 = arith.constant 14 : i32
    %shift_right_arithmetic3A_1217 = vector.broadcast %shift_right_arithmetic3A_1216 : i32 to vector<16xi32>
    %shift_right_arithmetic3A_1218 = arith.shrsi %get3A_1215, %shift_right_arithmetic3A_1217 : vector<16xi32>
    %shift_left3A_1219 = arith.constant 13 : i32
    %shift_left3A_1220 = vector.broadcast %shift_left3A_1219 : i32 to vector<16xi32>
    %shift_left3A_1221 = arith.shli %shift_right_arithmetic3A_1218, %shift_left3A_1220 : vector<16xi32>
    %and3A_1222 = arith.constant 8191 : i32
    %and3A_1223 = vector.broadcast %and3A_1222 : i32 to vector<16xi32>
    %and3A_1224 = arith.andi %get3A_1215, %and3A_1223 : vector<16xi32>
    %add3A_1225 = arith.addi %shift_left3A_1221, %and3A_1224 : vector<16xi32>
    %mul3A_1226 = arith.constant 2 : i32
    %mul3A_1227 = vector.broadcast %mul3A_1226 : i32 to vector<16xi32>
    %mul3A_1228 = arith.muli %add3A_1225, %mul3A_1227 : vector<16xi32>
    %shift_right_arithmetic3A_1229 = arith.constant 13 : i32
    %shift_right_arithmetic3A_1230 = vector.broadcast %shift_right_arithmetic3A_1229 : i32 to vector<16xi32>
    %shift_right_arithmetic3A_1231 = arith.shrsi %get3A_1215, %shift_right_arithmetic3A_1230 : vector<16xi32>
    %and3A_1232 = arith.constant 1 : i32
    %and3A_1233 = vector.broadcast %and3A_1232 : i32 to vector<16xi32>
    %and3A_1234 = arith.andi %shift_right_arithmetic3A_1231, %and3A_1233 : vector<16xi32>
    %add3A_1235 = arith.addi %mul3A_1228, %and3A_1234 : vector<16xi32>
    %swap3A_1236 = arith.constant 352 : index
    %swap3A_1237 = tpu.vector_load %arg11[%swap3A_1236] {strides = array<i32>} : memref<512xi32, #tpu.memory_space<vmem>>, vector<16xi32>,
    %swap3A_1238 = vector.shape_cast %swap3A_1237 : vector<16xi32> to vector<16xi32>
    %swap3A_1239 = vector.shape_cast %add3A_1235 : vector<16xi32> to vector<16xi32>
    tpu.vector_store %arg11[%swap3A_1236], %swap3A_1239 {strides = array<i32>} : memref<512xi32, #tpu.memory_space<vmem>>, vector<16xi32>,
    %get3A_1240 = arith.constant 368 : index
    %get3A_1241 = tpu.vector_load %arg10[%get3A_1240] {strides = array<i32>} : memref<512xi32, #tpu.memory_space<vmem>>, vector<16xi32>,
    %get3A_1242 = vector.shape_cast %get3A_1241 : vector<16xi32> to vector<16xi32>
    %shift_right_arithmetic3A_1243 = arith.constant 14 : i32
    %shift_right_arithmetic3A_1244 = vector.broadcast %shift_right_arithmetic3A_1243 : i32 to vector<16xi32>
    %shift_right_arithmetic3A_1245 = arith.shrsi %get3A_1242, %shift_right_arithmetic3A_1244 : vector<16xi32>
    %shift_left3A_1246 = arith.constant 13 : i32
    %shift_left3A_1247 = vector.broadcast %shift_left3A_1246 : i32 to vector<16xi32>
    %shift_left3A_1248 = arith.shli %shift_right_arithmetic3A_1245, %shift_left3A_1247 : vector<16xi32>
    %and3A_1249 = arith.constant 8191 : i32
    %and3A_1250 = vector.broadcast %and3A_1249 : i32 to vector<16xi32>
    %and3A_1251 = arith.andi %get3A_1242, %and3A_1250 : vector<16xi32>
    %add3A_1252 = arith.addi %shift_left3A_1248, %and3A_1251 : vector<16xi32>
    %mul3A_1253 = arith.constant 2 : i32
    %mul3A_1254 = vector.broadcast %mul3A_1253 : i32 to vector<16xi32>
    %mul3A_1255 = arith.muli %add3A_1252, %mul3A_1254 : vector<16xi32>
    %shift_right_arithmetic3A_1256 = arith.constant 13 : i32
    %shift_right_arithmetic3A_1257 = vector.broadcast %shift_right_arithmetic3A_1256 : i32 to vector<16xi32>
    %shift_right_arithmetic3A_1258 = arith.shrsi %get3A_1242, %shift_right_arithmetic3A_1257 : vector<16xi32>
    %and3A_1259 = arith.constant 1 : i32
    %and3A_1260 = vector.broadcast %and3A_1259 : i32 to vector<16xi32>
    %and3A_1261 = arith.andi %shift_right_arithmetic3A_1258, %and3A_1260 : vector<16xi32>
    %add3A_1262 = arith.addi %mul3A_1255, %and3A_1261 : vector<16xi32>
    %swap3A_1263 = arith.constant 368 : index
    %swap3A_1264 = tpu.vector_load %arg10[%swap3A_1263] {strides = array<i32>} : memref<512xi32, #tpu.memory_space<vmem>>, vector<16xi32>,
    %swap3A_1265 = vector.shape_cast %swap3A_1264 : vector<16xi32> to vector<16xi32>
    %swap3A_1266 = vector.shape_cast %add3A_1262 : vector<16xi32> to vector<16xi32>
    tpu.vector_store %arg10[%swap3A_1263], %swap3A_1266 {strides = array<i32>} : memref<512xi32, #tpu.memory_space<vmem>>, vector<16xi32>,
    %get3A_1267 = arith.constant 368 : index
    %get3A_1268 = tpu.vector_load %arg11[%get3A_1267] {strides = array<i32>} : memref<512xi32, #tpu.memory_space<vmem>>, vector<16xi32>,
    %get3A_1269 = vector.shape_cast %get3A_1268 : vector<16xi32> to vector<16xi32>
    %shift_right_arithmetic3A_1270 = arith.constant 14 : i32
    %shift_right_arithmetic3A_1271 = vector.broadcast %shift_right_arithmetic3A_1270 : i32 to vector<16xi32>
    %shift_right_arithmetic3A_1272 = arith.shrsi %get3A_1269, %shift_right_arithmetic3A_1271 : vector<16xi32>
    %shift_left3A_1273 = arith.constant 13 : i32
    %shift_left3A_1274 = vector.broadcast %shift_left3A_1273 : i32 to vector<16xi32>
    %shift_left3A_1275 = arith.shli %shift_right_arithmetic3A_1272, %shift_left3A_1274 : vector<16xi32>
    %and3A_1276 = arith.constant 8191 : i32
    %and3A_1277 = vector.broadcast %and3A_1276 : i32 to vector<16xi32>
    %and3A_1278 = arith.andi %get3A_1269, %and3A_1277 : vector<16xi32>
    %add3A_1279 = arith.addi %shift_left3A_1275, %and3A_1278 : vector<16xi32>
    %mul3A_1280 = arith.constant 2 : i32
    %mul3A_1281 = vector.broadcast %mul3A_1280 : i32 to vector<16xi32>
    %mul3A_1282 = arith.muli %add3A_1279, %mul3A_1281 : vector<16xi32>
    %shift_right_arithmetic3A_1283 = arith.constant 13 : i32
    %shift_right_arithmetic3A_1284 = vector.broadcast %shift_right_arithmetic3A_1283 : i32 to vector<16xi32>
    %shift_right_arithmetic3A_1285 = arith.shrsi %get3A_1269, %shift_right_arithmetic3A_1284 : vector<16xi32>
    %and3A_1286 = arith.constant 1 : i32
    %and3A_1287 = vector.broadcast %and3A_1286 : i32 to vector<16xi32>
    %and3A_1288 = arith.andi %shift_right_arithmetic3A_1285, %and3A_1287 : vector<16xi32>
    %add3A_1289 = arith.addi %mul3A_1282, %and3A_1288 : vector<16xi32>
    %swap3A_1290 = arith.constant 368 : index
    %swap3A_1291 = tpu.vector_load %arg11[%swap3A_1290] {strides = array<i32>} : memref<512xi32, #tpu.memory_space<vmem>>, vector<16xi32>,
    %swap3A_1292 = vector.shape_cast %swap3A_1291 : vector<16xi32> to vector<16xi32>
    %swap3A_1293 = vector.shape_cast %add3A_1289 : vector<16xi32> to vector<16xi32>
    tpu.vector_store %arg11[%swap3A_1290], %swap3A_1293 {strides = array<i32>} : memref<512xi32, #tpu.memory_space<vmem>>, vector<16xi32>,
    %get3A_1294 = arith.constant 384 : index
    %get3A_1295 = tpu.vector_load %arg10[%get3A_1294] {strides = array<i32>} : memref<512xi32, #tpu.memory_space<vmem>>, vector<16xi32>,
    %get3A_1296 = vector.shape_cast %get3A_1295 : vector<16xi32> to vector<16xi32>
    %shift_right_arithmetic3A_1297 = arith.constant 14 : i32
    %shift_right_arithmetic3A_1298 = vector.broadcast %shift_right_arithmetic3A_1297 : i32 to vector<16xi32>
    %shift_right_arithmetic3A_1299 = arith.shrsi %get3A_1296, %shift_right_arithmetic3A_1298 : vector<16xi32>
    %shift_left3A_1300 = arith.constant 13 : i32
    %shift_left3A_1301 = vector.broadcast %shift_left3A_1300 : i32 to vector<16xi32>
    %shift_left3A_1302 = arith.shli %shift_right_arithmetic3A_1299, %shift_left3A_1301 : vector<16xi32>
    %and3A_1303 = arith.constant 8191 : i32
    %and3A_1304 = vector.broadcast %and3A_1303 : i32 to vector<16xi32>
    %and3A_1305 = arith.andi %get3A_1296, %and3A_1304 : vector<16xi32>
    %add3A_1306 = arith.addi %shift_left3A_1302, %and3A_1305 : vector<16xi32>
    %mul3A_1307 = arith.constant 2 : i32
    %mul3A_1308 = vector.broadcast %mul3A_1307 : i32 to vector<16xi32>
    %mul3A_1309 = arith.muli %add3A_1306, %mul3A_1308 : vector<16xi32>
    %shift_right_arithmetic3A_1310 = arith.constant 13 : i32
    %shift_right_arithmetic3A_1311 = vector.broadcast %shift_right_arithmetic3A_1310 : i32 to vector<16xi32>
    %shift_right_arithmetic3A_1312 = arith.shrsi %get3A_1296, %shift_right_arithmetic3A_1311 : vector<16xi32>
    %and3A_1313 = arith.constant 1 : i32
    %and3A_1314 = vector.broadcast %and3A_1313 : i32 to vector<16xi32>
    %and3A_1315 = arith.andi %shift_right_arithmetic3A_1312, %and3A_1314 : vector<16xi32>
    %add3A_1316 = arith.addi %mul3A_1309, %and3A_1315 : vector<16xi32>
    %swap3A_1317 = arith.constant 384 : index
    %swap3A_1318 = tpu.vector_load %arg10[%swap3A_1317] {strides = array<i32>} : memref<512xi32, #tpu.memory_space<vmem>>, vector<16xi32>,
    %swap3A_1319 = vector.shape_cast %swap3A_1318 : vector<16xi32> to vector<16xi32>
    %swap3A_1320 = vector.shape_cast %add3A_1316 : vector<16xi32> to vector<16xi32>
    tpu.vector_store %arg10[%swap3A_1317], %swap3A_1320 {strides = array<i32>} : memref<512xi32, #tpu.memory_space<vmem>>, vector<16xi32>,
    %get3A_1321 = arith.constant 384 : index
    %get3A_1322 = tpu.vector_load %arg11[%get3A_1321] {strides = array<i32>} : memref<512xi32, #tpu.memory_space<vmem>>, vector<16xi32>,
    %get3A_1323 = vector.shape_cast %get3A_1322 : vector<16xi32> to vector<16xi32>
    %shift_right_arithmetic3A_1324 = arith.constant 14 : i32
    %shift_right_arithmetic3A_1325 = vector.broadcast %shift_right_arithmetic3A_1324 : i32 to vector<16xi32>
    %shift_right_arithmetic3A_1326 = arith.shrsi %get3A_1323, %shift_right_arithmetic3A_1325 : vector<16xi32>
    %shift_left3A_1327 = arith.constant 13 : i32
    %shift_left3A_1328 = vector.broadcast %shift_left3A_1327 : i32 to vector<16xi32>
    %shift_left3A_1329 = arith.shli %shift_right_arithmetic3A_1326, %shift_left3A_1328 : vector<16xi32>
    %and3A_1330 = arith.constant 8191 : i32
    %and3A_1331 = vector.broadcast %and3A_1330 : i32 to vector<16xi32>
    %and3A_1332 = arith.andi %get3A_1323, %and3A_1331 : vector<16xi32>
    %add3A_1333 = arith.addi %shift_left3A_1329, %and3A_1332 : vector<16xi32>
    %mul3A_1334 = arith.constant 2 : i32
    %mul3A_1335 = vector.broadcast %mul3A_1334 : i32 to vector<16xi32>
    %mul3A_1336 = arith.muli %add3A_1333, %mul3A_1335 : vector<16xi32>
    %shift_right_arithmetic3A_1337 = arith.constant 13 : i32
    %shift_right_arithmetic3A_1338 = vector.broadcast %shift_right_arithmetic3A_1337 : i32 to vector<16xi32>
    %shift_right_arithmetic3A_1339 = arith.shrsi %get3A_1323, %shift_right_arithmetic3A_1338 : vector<16xi32>
    %and3A_1340 = arith.constant 1 : i32
    %and3A_1341 = vector.broadcast %and3A_1340 : i32 to vector<16xi32>
    %and3A_1342 = arith.andi %shift_right_arithmetic3A_1339, %and3A_1341 : vector<16xi32>
    %add3A_1343 = arith.addi %mul3A_1336, %and3A_1342 : vector<16xi32>
    %swap3A_1344 = arith.constant 384 : index
    %swap3A_1345 = tpu.vector_load %arg11[%swap3A_1344] {strides = array<i32>} : memref<512xi32, #tpu.memory_space<vmem>>, vector<16xi32>,
    %swap3A_1346 = vector.shape_cast %swap3A_1345 : vector<16xi32> to vector<16xi32>
    %swap3A_1347 = vector.shape_cast %add3A_1343 : vector<16xi32> to vector<16xi32>
    tpu.vector_store %arg11[%swap3A_1344], %swap3A_1347 {strides = array<i32>} : memref<512xi32, #tpu.memory_space<vmem>>, vector<16xi32>,
    %get3A_1348 = arith.constant 400 : index
    %get3A_1349 = tpu.vector_load %arg10[%get3A_1348] {strides = array<i32>} : memref<512xi32, #tpu.memory_space<vmem>>, vector<16xi32>,
    %get3A_1350 = vector.shape_cast %get3A_1349 : vector<16xi32> to vector<16xi32>
    %shift_right_arithmetic3A_1351 = arith.constant 14 : i32
    %shift_right_arithmetic3A_1352 = vector.broadcast %shift_right_arithmetic3A_1351 : i32 to vector<16xi32>
    %shift_right_arithmetic3A_1353 = arith.shrsi %get3A_1350, %shift_right_arithmetic3A_1352 : vector<16xi32>
    %shift_left3A_1354 = arith.constant 13 : i32
    %shift_left3A_1355 = vector.broadcast %shift_left3A_1354 : i32 to vector<16xi32>
    %shift_left3A_1356 = arith.shli %shift_right_arithmetic3A_1353, %shift_left3A_1355 : vector<16xi32>
    %and3A_1357 = arith.constant 8191 : i32
    %and3A_1358 = vector.broadcast %and3A_1357 : i32 to vector<16xi32>
    %and3A_1359 = arith.andi %get3A_1350, %and3A_1358 : vector<16xi32>
    %add3A_1360 = arith.addi %shift_left3A_1356, %and3A_1359 : vector<16xi32>
    %mul3A_1361 = arith.constant 2 : i32
    %mul3A_1362 = vector.broadcast %mul3A_1361 : i32 to vector<16xi32>
    %mul3A_1363 = arith.muli %add3A_1360, %mul3A_1362 : vector<16xi32>
    %shift_right_arithmetic3A_1364 = arith.constant 13 : i32
    %shift_right_arithmetic3A_1365 = vector.broadcast %shift_right_arithmetic3A_1364 : i32 to vector<16xi32>
    %shift_right_arithmetic3A_1366 = arith.shrsi %get3A_1350, %shift_right_arithmetic3A_1365 : vector<16xi32>
    %and3A_1367 = arith.constant 1 : i32
    %and3A_1368 = vector.broadcast %and3A_1367 : i32 to vector<16xi32>
    %and3A_1369 = arith.andi %shift_right_arithmetic3A_1366, %and3A_1368 : vector<16xi32>
    %add3A_1370 = arith.addi %mul3A_1363, %and3A_1369 : vector<16xi32>
    %swap3A_1371 = arith.constant 400 : index
    %swap3A_1372 = tpu.vector_load %arg10[%swap3A_1371] {strides = array<i32>} : memref<512xi32, #tpu.memory_space<vmem>>, vector<16xi32>,
    %swap3A_1373 = vector.shape_cast %swap3A_1372 : vector<16xi32> to vector<16xi32>
    %swap3A_1374 = vector.shape_cast %add3A_1370 : vector<16xi32> to vector<16xi32>
    tpu.vector_store %arg10[%swap3A_1371], %swap3A_1374 {strides = array<i32>} : memref<512xi32, #tpu.memory_space<vmem>>, vector<16xi32>,
    %get3A_1375 = arith.constant 400 : index
    %get3A_1376 = tpu.vector_load %arg11[%get3A_1375] {strides = array<i32>} : memref<512xi32, #tpu.memory_space<vmem>>, vector<16xi32>,
    %get3A_1377 = vector.shape_cast %get3A_1376 : vector<16xi32> to vector<16xi32>
    %shift_right_arithmetic3A_1378 = arith.constant 14 : i32
    %shift_right_arithmetic3A_1379 = vector.broadcast %shift_right_arithmetic3A_1378 : i32 to vector<16xi32>
    %shift_right_arithmetic3A_1380 = arith.shrsi %get3A_1377, %shift_right_arithmetic3A_1379 : vector<16xi32>
    %shift_left3A_1381 = arith.constant 13 : i32
    %shift_left3A_1382 = vector.broadcast %shift_left3A_1381 : i32 to vector<16xi32>
    %shift_left3A_1383 = arith.shli %shift_right_arithmetic3A_1380, %shift_left3A_1382 : vector<16xi32>
    %and3A_1384 = arith.constant 8191 : i32
    %and3A_1385 = vector.broadcast %and3A_1384 : i32 to vector<16xi32>
    %and3A_1386 = arith.andi %get3A_1377, %and3A_1385 : vector<16xi32>
    %add3A_1387 = arith.addi %shift_left3A_1383, %and3A_1386 : vector<16xi32>
    %mul3A_1388 = arith.constant 2 : i32
    %mul3A_1389 = vector.broadcast %mul3A_1388 : i32 to vector<16xi32>
    %mul3A_1390 = arith.muli %add3A_1387, %mul3A_1389 : vector<16xi32>
    %shift_right_arithmetic3A_1391 = arith.constant 13 : i32
    %shift_right_arithmetic3A_1392 = vector.broadcast %shift_right_arithmetic3A_1391 : i32 to vector<16xi32>
    %shift_right_arithmetic3A_1393 = arith.shrsi %get3A_1377, %shift_right_arithmetic3A_1392 : vector<16xi32>
    %and3A_1394 = arith.constant 1 : i32
    %and3A_1395 = vector.broadcast %and3A_1394 : i32 to vector<16xi32>
    %and3A_1396 = arith.andi %shift_right_arithmetic3A_1393, %and3A_1395 : vector<16xi32>
    %add3A_1397 = arith.addi %mul3A_1390, %and3A_1396 : vector<16xi32>
    %swap3A_1398 = arith.constant 400 : index
    %swap3A_1399 = tpu.vector_load %arg11[%swap3A_1398] {strides = array<i32>} : memref<512xi32, #tpu.memory_space<vmem>>, vector<16xi32>,
    %swap3A_1400 = vector.shape_cast %swap3A_1399 : vector<16xi32> to vector<16xi32>
    %swap3A_1401 = vector.shape_cast %add3A_1397 : vector<16xi32> to vector<16xi32>
    tpu.vector_store %arg11[%swap3A_1398], %swap3A_1401 {strides = array<i32>} : memref<512xi32, #tpu.memory_space<vmem>>, vector<16xi32>,
    %get3A_1402 = arith.constant 416 : index
    %get3A_1403 = tpu.vector_load %arg10[%get3A_1402] {strides = array<i32>} : memref<512xi32, #tpu.memory_space<vmem>>, vector<16xi32>,
    %get3A_1404 = vector.shape_cast %get3A_1403 : vector<16xi32> to vector<16xi32>
    %shift_right_arithmetic3A_1405 = arith.constant 14 : i32
    %shift_right_arithmetic3A_1406 = vector.broadcast %shift_right_arithmetic3A_1405 : i32 to vector<16xi32>
    %shift_right_arithmetic3A_1407 = arith.shrsi %get3A_1404, %shift_right_arithmetic3A_1406 : vector<16xi32>
    %shift_left3A_1408 = arith.constant 13 : i32
    %shift_left3A_1409 = vector.broadcast %shift_left3A_1408 : i32 to vector<16xi32>
    %shift_left3A_1410 = arith.shli %shift_right_arithmetic3A_1407, %shift_left3A_1409 : vector<16xi32>
    %and3A_1411 = arith.constant 8191 : i32
    %and3A_1412 = vector.broadcast %and3A_1411 : i32 to vector<16xi32>
    %and3A_1413 = arith.andi %get3A_1404, %and3A_1412 : vector<16xi32>
    %add3A_1414 = arith.addi %shift_left3A_1410, %and3A_1413 : vector<16xi32>
    %mul3A_1415 = arith.constant 2 : i32
    %mul3A_1416 = vector.broadcast %mul3A_1415 : i32 to vector<16xi32>
    %mul3A_1417 = arith.muli %add3A_1414, %mul3A_1416 : vector<16xi32>
    %shift_right_arithmetic3A_1418 = arith.constant 13 : i32
    %shift_right_arithmetic3A_1419 = vector.broadcast %shift_right_arithmetic3A_1418 : i32 to vector<16xi32>
    %shift_right_arithmetic3A_1420 = arith.shrsi %get3A_1404, %shift_right_arithmetic3A_1419 : vector<16xi32>
    %and3A_1421 = arith.constant 1 : i32
    %and3A_1422 = vector.broadcast %and3A_1421 : i32 to vector<16xi32>
    %and3A_1423 = arith.andi %shift_right_arithmetic3A_1420, %and3A_1422 : vector<16xi32>
    %add3A_1424 = arith.addi %mul3A_1417, %and3A_1423 : vector<16xi32>
    %swap3A_1425 = arith.constant 416 : index
    %swap3A_1426 = tpu.vector_load %arg10[%swap3A_1425] {strides = array<i32>} : memref<512xi32, #tpu.memory_space<vmem>>, vector<16xi32>,
    %swap3A_1427 = vector.shape_cast %swap3A_1426 : vector<16xi32> to vector<16xi32>
    %swap3A_1428 = vector.shape_cast %add3A_1424 : vector<16xi32> to vector<16xi32>
    tpu.vector_store %arg10[%swap3A_1425], %swap3A_1428 {strides = array<i32>} : memref<512xi32, #tpu.memory_space<vmem>>, vector<16xi32>,
    %get3A_1429 = arith.constant 416 : index
    %get3A_1430 = tpu.vector_load %arg11[%get3A_1429] {strides = array<i32>} : memref<512xi32, #tpu.memory_space<vmem>>, vector<16xi32>,
    %get3A_1431 = vector.shape_cast %get3A_1430 : vector<16xi32> to vector<16xi32>
    %shift_right_arithmetic3A_1432 = arith.constant 14 : i32
    %shift_right_arithmetic3A_1433 = vector.broadcast %shift_right_arithmetic3A_1432 : i32 to vector<16xi32>
    %shift_right_arithmetic3A_1434 = arith.shrsi %get3A_1431, %shift_right_arithmetic3A_1433 : vector<16xi32>
    %shift_left3A_1435 = arith.constant 13 : i32
    %shift_left3A_1436 = vector.broadcast %shift_left3A_1435 : i32 to vector<16xi32>
    %shift_left3A_1437 = arith.shli %shift_right_arithmetic3A_1434, %shift_left3A_1436 : vector<16xi32>
    %and3A_1438 = arith.constant 8191 : i32
    %and3A_1439 = vector.broadcast %and3A_1438 : i32 to vector<16xi32>
    %and3A_1440 = arith.andi %get3A_1431, %and3A_1439 : vector<16xi32>
    %add3A_1441 = arith.addi %shift_left3A_1437, %and3A_1440 : vector<16xi32>
    %mul3A_1442 = arith.constant 2 : i32
    %mul3A_1443 = vector.broadcast %mul3A_1442 : i32 to vector<16xi32>
    %mul3A_1444 = arith.muli %add3A_1441, %mul3A_1443 : vector<16xi32>
    %shift_right_arithmetic3A_1445 = arith.constant 13 : i32
    %shift_right_arithmetic3A_1446 = vector.broadcast %shift_right_arithmetic3A_1445 : i32 to vector<16xi32>
    %shift_right_arithmetic3A_1447 = arith.shrsi %get3A_1431, %shift_right_arithmetic3A_1446 : vector<16xi32>
    %and3A_1448 = arith.constant 1 : i32
    %and3A_1449 = vector.broadcast %and3A_1448 : i32 to vector<16xi32>
    %and3A_1450 = arith.andi %shift_right_arithmetic3A_1447, %and3A_1449 : vector<16xi32>
    %add3A_1451 = arith.addi %mul3A_1444, %and3A_1450 : vector<16xi32>
    %swap3A_1452 = arith.constant 416 : index
    %swap3A_1453 = tpu.vector_load %arg11[%swap3A_1452] {strides = array<i32>} : memref<512xi32, #tpu.memory_space<vmem>>, vector<16xi32>,
    %swap3A_1454 = vector.shape_cast %swap3A_1453 : vector<16xi32> to vector<16xi32>
    %swap3A_1455 = vector.shape_cast %add3A_1451 : vector<16xi32> to vector<16xi32>
    tpu.vector_store %arg11[%swap3A_1452], %swap3A_1455 {strides = array<i32>} : memref<512xi32, #tpu.memory_space<vmem>>, vector<16xi32>,
    %get3A_1456 = arith.constant 432 : index
    %get3A_1457 = tpu.vector_load %arg10[%get3A_1456] {strides = array<i32>} : memref<512xi32, #tpu.memory_space<vmem>>, vector<16xi32>,
    %get3A_1458 = vector.shape_cast %get3A_1457 : vector<16xi32> to vector<16xi32>
    %shift_right_arithmetic3A_1459 = arith.constant 14 : i32
    %shift_right_arithmetic3A_1460 = vector.broadcast %shift_right_arithmetic3A_1459 : i32 to vector<16xi32>
    %shift_right_arithmetic3A_1461 = arith.shrsi %get3A_1458, %shift_right_arithmetic3A_1460 : vector<16xi32>
    %shift_left3A_1462 = arith.constant 13 : i32
    %shift_left3A_1463 = vector.broadcast %shift_left3A_1462 : i32 to vector<16xi32>
    %shift_left3A_1464 = arith.shli %shift_right_arithmetic3A_1461, %shift_left3A_1463 : vector<16xi32>
    %and3A_1465 = arith.constant 8191 : i32
    %and3A_1466 = vector.broadcast %and3A_1465 : i32 to vector<16xi32>
    %and3A_1467 = arith.andi %get3A_1458, %and3A_1466 : vector<16xi32>
    %add3A_1468 = arith.addi %shift_left3A_1464, %and3A_1467 : vector<16xi32>
    %mul3A_1469 = arith.constant 2 : i32
    %mul3A_1470 = vector.broadcast %mul3A_1469 : i32 to vector<16xi32>
    %mul3A_1471 = arith.muli %add3A_1468, %mul3A_1470 : vector<16xi32>
    %shift_right_arithmetic3A_1472 = arith.constant 13 : i32
    %shift_right_arithmetic3A_1473 = vector.broadcast %shift_right_arithmetic3A_1472 : i32 to vector<16xi32>
    %shift_right_arithmetic3A_1474 = arith.shrsi %get3A_1458, %shift_right_arithmetic3A_1473 : vector<16xi32>
    %and3A_1475 = arith.constant 1 : i32
    %and3A_1476 = vector.broadcast %and3A_1475 : i32 to vector<16xi32>
    %and3A_1477 = arith.andi %shift_right_arithmetic3A_1474, %and3A_1476 : vector<16xi32>
    %add3A_1478 = arith.addi %mul3A_1471, %and3A_1477 : vector<16xi32>
    %swap3A_1479 = arith.constant 432 : index
    %swap3A_1480 = tpu.vector_load %arg10[%swap3A_1479] {strides = array<i32>} : memref<512xi32, #tpu.memory_space<vmem>>, vector<16xi32>,
    %swap3A_1481 = vector.shape_cast %swap3A_1480 : vector<16xi32> to vector<16xi32>
    %swap3A_1482 = vector.shape_cast %add3A_1478 : vector<16xi32> to vector<16xi32>
    tpu.vector_store %arg10[%swap3A_1479], %swap3A_1482 {strides = array<i32>} : memref<512xi32, #tpu.memory_space<vmem>>, vector<16xi32>,
    %get3A_1483 = arith.constant 432 : index
    %get3A_1484 = tpu.vector_load %arg11[%get3A_1483] {strides = array<i32>} : memref<512xi32, #tpu.memory_space<vmem>>, vector<16xi32>,
    %get3A_1485 = vector.shape_cast %get3A_1484 : vector<16xi32> to vector<16xi32>
    %shift_right_arithmetic3A_1486 = arith.constant 14 : i32
    %shift_right_arithmetic3A_1487 = vector.broadcast %shift_right_arithmetic3A_1486 : i32 to vector<16xi32>
    %shift_right_arithmetic3A_1488 = arith.shrsi %get3A_1485, %shift_right_arithmetic3A_1487 : vector<16xi32>
    %shift_left3A_1489 = arith.constant 13 : i32
    %shift_left3A_1490 = vector.broadcast %shift_left3A_1489 : i32 to vector<16xi32>
    %shift_left3A_1491 = arith.shli %shift_right_arithmetic3A_1488, %shift_left3A_1490 : vector<16xi32>
    %and3A_1492 = arith.constant 8191 : i32
    %and3A_1493 = vector.broadcast %and3A_1492 : i32 to vector<16xi32>
    %and3A_1494 = arith.andi %get3A_1485, %and3A_1493 : vector<16xi32>
    %add3A_1495 = arith.addi %shift_left3A_1491, %and3A_1494 : vector<16xi32>
    %mul3A_1496 = arith.constant 2 : i32
    %mul3A_1497 = vector.broadcast %mul3A_1496 : i32 to vector<16xi32>
    %mul3A_1498 = arith.muli %add3A_1495, %mul3A_1497 : vector<16xi32>
    %shift_right_arithmetic3A_1499 = arith.constant 13 : i32
    %shift_right_arithmetic3A_1500 = vector.broadcast %shift_right_arithmetic3A_1499 : i32 to vector<16xi32>
    %shift_right_arithmetic3A_1501 = arith.shrsi %get3A_1485, %shift_right_arithmetic3A_1500 : vector<16xi32>
    %and3A_1502 = arith.constant 1 : i32
    %and3A_1503 = vector.broadcast %and3A_1502 : i32 to vector<16xi32>
    %and3A_1504 = arith.andi %shift_right_arithmetic3A_1501, %and3A_1503 : vector<16xi32>
    %add3A_1505 = arith.addi %mul3A_1498, %and3A_1504 : vector<16xi32>
    %swap3A_1506 = arith.constant 432 : index
    %swap3A_1507 = tpu.vector_load %arg11[%swap3A_1506] {strides = array<i32>} : memref<512xi32, #tpu.memory_space<vmem>>, vector<16xi32>,
    %swap3A_1508 = vector.shape_cast %swap3A_1507 : vector<16xi32> to vector<16xi32>
    %swap3A_1509 = vector.shape_cast %add3A_1505 : vector<16xi32> to vector<16xi32>
    tpu.vector_store %arg11[%swap3A_1506], %swap3A_1509 {strides = array<i32>} : memref<512xi32, #tpu.memory_space<vmem>>, vector<16xi32>,
    %get3A_1510 = arith.constant 448 : index
    %get3A_1511 = tpu.vector_load %arg10[%get3A_1510] {strides = array<i32>} : memref<512xi32, #tpu.memory_space<vmem>>, vector<16xi32>,
    %get3A_1512 = vector.shape_cast %get3A_1511 : vector<16xi32> to vector<16xi32>
    %shift_right_arithmetic3A_1513 = arith.constant 14 : i32
    %shift_right_arithmetic3A_1514 = vector.broadcast %shift_right_arithmetic3A_1513 : i32 to vector<16xi32>
    %shift_right_arithmetic3A_1515 = arith.shrsi %get3A_1512, %shift_right_arithmetic3A_1514 : vector<16xi32>
    %shift_left3A_1516 = arith.constant 13 : i32
    %shift_left3A_1517 = vector.broadcast %shift_left3A_1516 : i32 to vector<16xi32>
    %shift_left3A_1518 = arith.shli %shift_right_arithmetic3A_1515, %shift_left3A_1517 : vector<16xi32>
    %and3A_1519 = arith.constant 8191 : i32
    %and3A_1520 = vector.broadcast %and3A_1519 : i32 to vector<16xi32>
    %and3A_1521 = arith.andi %get3A_1512, %and3A_1520 : vector<16xi32>
    %add3A_1522 = arith.addi %shift_left3A_1518, %and3A_1521 : vector<16xi32>
    %mul3A_1523 = arith.constant 2 : i32
    %mul3A_1524 = vector.broadcast %mul3A_1523 : i32 to vector<16xi32>
    %mul3A_1525 = arith.muli %add3A_1522, %mul3A_1524 : vector<16xi32>
    %shift_right_arithmetic3A_1526 = arith.constant 13 : i32
    %shift_right_arithmetic3A_1527 = vector.broadcast %shift_right_arithmetic3A_1526 : i32 to vector<16xi32>
    %shift_right_arithmetic3A_1528 = arith.shrsi %get3A_1512, %shift_right_arithmetic3A_1527 : vector<16xi32>
    %and3A_1529 = arith.constant 1 : i32
    %and3A_1530 = vector.broadcast %and3A_1529 : i32 to vector<16xi32>
    %and3A_1531 = arith.andi %shift_right_arithmetic3A_1528, %and3A_1530 : vector<16xi32>
    %add3A_1532 = arith.addi %mul3A_1525, %and3A_1531 : vector<16xi32>
    %swap3A_1533 = arith.constant 448 : index
    %swap3A_1534 = tpu.vector_load %arg10[%swap3A_1533] {strides = array<i32>} : memref<512xi32, #tpu.memory_space<vmem>>, vector<16xi32>,
    %swap3A_1535 = vector.shape_cast %swap3A_1534 : vector<16xi32> to vector<16xi32>
    %swap3A_1536 = vector.shape_cast %add3A_1532 : vector<16xi32> to vector<16xi32>
    tpu.vector_store %arg10[%swap3A_1533], %swap3A_1536 {strides = array<i32>} : memref<512xi32, #tpu.memory_space<vmem>>, vector<16xi32>,
    %get3A_1537 = arith.constant 448 : index
    %get3A_1538 = tpu.vector_load %arg11[%get3A_1537] {strides = array<i32>} : memref<512xi32, #tpu.memory_space<vmem>>, vector<16xi32>,
    %get3A_1539 = vector.shape_cast %get3A_1538 : vector<16xi32> to vector<16xi32>
    %shift_right_arithmetic3A_1540 = arith.constant 14 : i32
    %shift_right_arithmetic3A_1541 = vector.broadcast %shift_right_arithmetic3A_1540 : i32 to vector<16xi32>
    %shift_right_arithmetic3A_1542 = arith.shrsi %get3A_1539, %shift_right_arithmetic3A_1541 : vector<16xi32>
    %shift_left3A_1543 = arith.constant 13 : i32
    %shift_left3A_1544 = vector.broadcast %shift_left3A_1543 : i32 to vector<16xi32>
    %shift_left3A_1545 = arith.shli %shift_right_arithmetic3A_1542, %shift_left3A_1544 : vector<16xi32>
    %and3A_1546 = arith.constant 8191 : i32
    %and3A_1547 = vector.broadcast %and3A_1546 : i32 to vector<16xi32>
    %and3A_1548 = arith.andi %get3A_1539, %and3A_1547 : vector<16xi32>
    %add3A_1549 = arith.addi %shift_left3A_1545, %and3A_1548 : vector<16xi32>
    %mul3A_1550 = arith.constant 2 : i32
    %mul3A_1551 = vector.broadcast %mul3A_1550 : i32 to vector<16xi32>
    %mul3A_1552 = arith.muli %add3A_1549, %mul3A_1551 : vector<16xi32>
    %shift_right_arithmetic3A_1553 = arith.constant 13 : i32
    %shift_right_arithmetic3A_1554 = vector.broadcast %shift_right_arithmetic3A_1553 : i32 to vector<16xi32>
    %shift_right_arithmetic3A_1555 = arith.shrsi %get3A_1539, %shift_right_arithmetic3A_1554 : vector<16xi32>
    %and3A_1556 = arith.constant 1 : i32
    %and3A_1557 = vector.broadcast %and3A_1556 : i32 to vector<16xi32>
    %and3A_1558 = arith.andi %shift_right_arithmetic3A_1555, %and3A_1557 : vector<16xi32>
    %add3A_1559 = arith.addi %mul3A_1552, %and3A_1558 : vector<16xi32>
    %swap3A_1560 = arith.constant 448 : index
    %swap3A_1561 = tpu.vector_load %arg11[%swap3A_1560] {strides = array<i32>} : memref<512xi32, #tpu.memory_space<vmem>>, vector<16xi32>,
    %swap3A_1562 = vector.shape_cast %swap3A_1561 : vector<16xi32> to vector<16xi32>
    %swap3A_1563 = vector.shape_cast %add3A_1559 : vector<16xi32> to vector<16xi32>
    tpu.vector_store %arg11[%swap3A_1560], %swap3A_1563 {strides = array<i32>} : memref<512xi32, #tpu.memory_space<vmem>>, vector<16xi32>,
    %get3A_1564 = arith.constant 464 : index
    %get3A_1565 = tpu.vector_load %arg10[%get3A_1564] {strides = array<i32>} : memref<512xi32, #tpu.memory_space<vmem>>, vector<16xi32>,
    %get3A_1566 = vector.shape_cast %get3A_1565 : vector<16xi32> to vector<16xi32>
    %shift_right_arithmetic3A_1567 = arith.constant 14 : i32
    %shift_right_arithmetic3A_1568 = vector.broadcast %shift_right_arithmetic3A_1567 : i32 to vector<16xi32>
    %shift_right_arithmetic3A_1569 = arith.shrsi %get3A_1566, %shift_right_arithmetic3A_1568 : vector<16xi32>
    %shift_left3A_1570 = arith.constant 13 : i32
    %shift_left3A_1571 = vector.broadcast %shift_left3A_1570 : i32 to vector<16xi32>
    %shift_left3A_1572 = arith.shli %shift_right_arithmetic3A_1569, %shift_left3A_1571 : vector<16xi32>
    %and3A_1573 = arith.constant 8191 : i32
    %and3A_1574 = vector.broadcast %and3A_1573 : i32 to vector<16xi32>
    %and3A_1575 = arith.andi %get3A_1566, %and3A_1574 : vector<16xi32>
    %add3A_1576 = arith.addi %shift_left3A_1572, %and3A_1575 : vector<16xi32>
    %mul3A_1577 = arith.constant 2 : i32
    %mul3A_1578 = vector.broadcast %mul3A_1577 : i32 to vector<16xi32>
    %mul3A_1579 = arith.muli %add3A_1576, %mul3A_1578 : vector<16xi32>
    %shift_right_arithmetic3A_1580 = arith.constant 13 : i32
    %shift_right_arithmetic3A_1581 = vector.broadcast %shift_right_arithmetic3A_1580 : i32 to vector<16xi32>
    %shift_right_arithmetic3A_1582 = arith.shrsi %get3A_1566, %shift_right_arithmetic3A_1581 : vector<16xi32>
    %and3A_1583 = arith.constant 1 : i32
    %and3A_1584 = vector.broadcast %and3A_1583 : i32 to vector<16xi32>
    %and3A_1585 = arith.andi %shift_right_arithmetic3A_1582, %and3A_1584 : vector<16xi32>
    %add3A_1586 = arith.addi %mul3A_1579, %and3A_1585 : vector<16xi32>
    %swap3A_1587 = arith.constant 464 : index
    %swap3A_1588 = tpu.vector_load %arg10[%swap3A_1587] {strides = array<i32>} : memref<512xi32, #tpu.memory_space<vmem>>, vector<16xi32>,
    %swap3A_1589 = vector.shape_cast %swap3A_1588 : vector<16xi32> to vector<16xi32>
    %swap3A_1590 = vector.shape_cast %add3A_1586 : vector<16xi32> to vector<16xi32>
    tpu.vector_store %arg10[%swap3A_1587], %swap3A_1590 {strides = array<i32>} : memref<512xi32, #tpu.memory_space<vmem>>, vector<16xi32>,
    %get3A_1591 = arith.constant 464 : index
    %get3A_1592 = tpu.vector_load %arg11[%get3A_1591] {strides = array<i32>} : memref<512xi32, #tpu.memory_space<vmem>>, vector<16xi32>,
    %get3A_1593 = vector.shape_cast %get3A_1592 : vector<16xi32> to vector<16xi32>
    %shift_right_arithmetic3A_1594 = arith.constant 14 : i32
    %shift_right_arithmetic3A_1595 = vector.broadcast %shift_right_arithmetic3A_1594 : i32 to vector<16xi32>
    %shift_right_arithmetic3A_1596 = arith.shrsi %get3A_1593, %shift_right_arithmetic3A_1595 : vector<16xi32>
    %shift_left3A_1597 = arith.constant 13 : i32
    %shift_left3A_1598 = vector.broadcast %shift_left3A_1597 : i32 to vector<16xi32>
    %shift_left3A_1599 = arith.shli %shift_right_arithmetic3A_1596, %shift_left3A_1598 : vector<16xi32>
    %and3A_1600 = arith.constant 8191 : i32
    %and3A_1601 = vector.broadcast %and3A_1600 : i32 to vector<16xi32>
    %and3A_1602 = arith.andi %get3A_1593, %and3A_1601 : vector<16xi32>
    %add3A_1603 = arith.addi %shift_left3A_1599, %and3A_1602 : vector<16xi32>
    %mul3A_1604 = arith.constant 2 : i32
    %mul3A_1605 = vector.broadcast %mul3A_1604 : i32 to vector<16xi32>
    %mul3A_1606 = arith.muli %add3A_1603, %mul3A_1605 : vector<16xi32>
    %shift_right_arithmetic3A_1607 = arith.constant 13 : i32
    %shift_right_arithmetic3A_1608 = vector.broadcast %shift_right_arithmetic3A_1607 : i32 to vector<16xi32>
    %shift_right_arithmetic3A_1609 = arith.shrsi %get3A_1593, %shift_right_arithmetic3A_1608 : vector<16xi32>
    %and3A_1610 = arith.constant 1 : i32
    %and3A_1611 = vector.broadcast %and3A_1610 : i32 to vector<16xi32>
    %and3A_1612 = arith.andi %shift_right_arithmetic3A_1609, %and3A_1611 : vector<16xi32>
    %add3A_1613 = arith.addi %mul3A_1606, %and3A_1612 : vector<16xi32>
    %swap3A_1614 = arith.constant 464 : index
    %swap3A_1615 = tpu.vector_load %arg11[%swap3A_1614] {strides = array<i32>} : memref<512xi32, #tpu.memory_space<vmem>>, vector<16xi32>,
    %swap3A_1616 = vector.shape_cast %swap3A_1615 : vector<16xi32> to vector<16xi32>
    %swap3A_1617 = vector.shape_cast %add3A_1613 : vector<16xi32> to vector<16xi32>
    tpu.vector_store %arg11[%swap3A_1614], %swap3A_1617 {strides = array<i32>} : memref<512xi32, #tpu.memory_space<vmem>>, vector<16xi32>,
    %get3A_1618 = arith.constant 480 : index
    %get3A_1619 = tpu.vector_load %arg10[%get3A_1618] {strides = array<i32>} : memref<512xi32, #tpu.memory_space<vmem>>, vector<16xi32>,
    %get3A_1620 = vector.shape_cast %get3A_1619 : vector<16xi32> to vector<16xi32>
    %shift_right_arithmetic3A_1621 = arith.constant 14 : i32
    %shift_right_arithmetic3A_1622 = vector.broadcast %shift_right_arithmetic3A_1621 : i32 to vector<16xi32>
    %shift_right_arithmetic3A_1623 = arith.shrsi %get3A_1620, %shift_right_arithmetic3A_1622 : vector<16xi32>
    %shift_left3A_1624 = arith.constant 13 : i32
    %shift_left3A_1625 = vector.broadcast %shift_left3A_1624 : i32 to vector<16xi32>
    %shift_left3A_1626 = arith.shli %shift_right_arithmetic3A_1623, %shift_left3A_1625 : vector<16xi32>
    %and3A_1627 = arith.constant 8191 : i32
    %and3A_1628 = vector.broadcast %and3A_1627 : i32 to vector<16xi32>
    %and3A_1629 = arith.andi %get3A_1620, %and3A_1628 : vector<16xi32>
    %add3A_1630 = arith.addi %shift_left3A_1626, %and3A_1629 : vector<16xi32>
    %mul3A_1631 = arith.constant 2 : i32
    %mul3A_1632 = vector.broadcast %mul3A_1631 : i32 to vector<16xi32>
    %mul3A_1633 = arith.muli %add3A_1630, %mul3A_1632 : vector<16xi32>
    %shift_right_arithmetic3A_1634 = arith.constant 13 : i32
    %shift_right_arithmetic3A_1635 = vector.broadcast %shift_right_arithmetic3A_1634 : i32 to vector<16xi32>
    %shift_right_arithmetic3A_1636 = arith.shrsi %get3A_1620, %shift_right_arithmetic3A_1635 : vector<16xi32>
    %and3A_1637 = arith.constant 1 : i32
    %and3A_1638 = vector.broadcast %and3A_1637 : i32 to vector<16xi32>
    %and3A_1639 = arith.andi %shift_right_arithmetic3A_1636, %and3A_1638 : vector<16xi32>
    %add3A_1640 = arith.addi %mul3A_1633, %and3A_1639 : vector<16xi32>
    %swap3A_1641 = arith.constant 480 : index
    %swap3A_1642 = tpu.vector_load %arg10[%swap3A_1641] {strides = array<i32>} : memref<512xi32, #tpu.memory_space<vmem>>, vector<16xi32>,
    %swap3A_1643 = vector.shape_cast %swap3A_1642 : vector<16xi32> to vector<16xi32>
    %swap3A_1644 = vector.shape_cast %add3A_1640 : vector<16xi32> to vector<16xi32>
    tpu.vector_store %arg10[%swap3A_1641], %swap3A_1644 {strides = array<i32>} : memref<512xi32, #tpu.memory_space<vmem>>, vector<16xi32>,
    %get3A_1645 = arith.constant 480 : index
    %get3A_1646 = tpu.vector_load %arg11[%get3A_1645] {strides = array<i32>} : memref<512xi32, #tpu.memory_space<vmem>>, vector<16xi32>,
    %get3A_1647 = vector.shape_cast %get3A_1646 : vector<16xi32> to vector<16xi32>
    %shift_right_arithmetic3A_1648 = arith.constant 14 : i32
    %shift_right_arithmetic3A_1649 = vector.broadcast %shift_right_arithmetic3A_1648 : i32 to vector<16xi32>
    %shift_right_arithmetic3A_1650 = arith.shrsi %get3A_1647, %shift_right_arithmetic3A_1649 : vector<16xi32>
    %shift_left3A_1651 = arith.constant 13 : i32
    %shift_left3A_1652 = vector.broadcast %shift_left3A_1651 : i32 to vector<16xi32>
    %shift_left3A_1653 = arith.shli %shift_right_arithmetic3A_1650, %shift_left3A_1652 : vector<16xi32>
    %and3A_1654 = arith.constant 8191 : i32
    %and3A_1655 = vector.broadcast %and3A_1654 : i32 to vector<16xi32>
    %and3A_1656 = arith.andi %get3A_1647, %and3A_1655 : vector<16xi32>
    %add3A_1657 = arith.addi %shift_left3A_1653, %and3A_1656 : vector<16xi32>
    %mul3A_1658 = arith.constant 2 : i32
    %mul3A_1659 = vector.broadcast %mul3A_1658 : i32 to vector<16xi32>
    %mul3A_1660 = arith.muli %add3A_1657, %mul3A_1659 : vector<16xi32>
    %shift_right_arithmetic3A_1661 = arith.constant 13 : i32
    %shift_right_arithmetic3A_1662 = vector.broadcast %shift_right_arithmetic3A_1661 : i32 to vector<16xi32>
    %shift_right_arithmetic3A_1663 = arith.shrsi %get3A_1647, %shift_right_arithmetic3A_1662 : vector<16xi32>
    %and3A_1664 = arith.constant 1 : i32
    %and3A_1665 = vector.broadcast %and3A_1664 : i32 to vector<16xi32>
    %and3A_1666 = arith.andi %shift_right_arithmetic3A_1663, %and3A_1665 : vector<16xi32>
    %add3A_1667 = arith.addi %mul3A_1660, %and3A_1666 : vector<16xi32>
    %swap3A_1668 = arith.constant 480 : index
    %swap3A_1669 = tpu.vector_load %arg11[%swap3A_1668] {strides = array<i32>} : memref<512xi32, #tpu.memory_space<vmem>>, vector<16xi32>,
    %swap3A_1670 = vector.shape_cast %swap3A_1669 : vector<16xi32> to vector<16xi32>
    %swap3A_1671 = vector.shape_cast %add3A_1667 : vector<16xi32> to vector<16xi32>
    tpu.vector_store %arg11[%swap3A_1668], %swap3A_1671 {strides = array<i32>} : memref<512xi32, #tpu.memory_space<vmem>>, vector<16xi32>,
    %get3A_1672 = arith.constant 496 : index
    %get3A_1673 = tpu.vector_load %arg10[%get3A_1672] {strides = array<i32>} : memref<512xi32, #tpu.memory_space<vmem>>, vector<16xi32>,
    %get3A_1674 = vector.shape_cast %get3A_1673 : vector<16xi32> to vector<16xi32>
    %shift_right_arithmetic3A_1675 = arith.constant 14 : i32
    %shift_right_arithmetic3A_1676 = vector.broadcast %shift_right_arithmetic3A_1675 : i32 to vector<16xi32>
    %shift_right_arithmetic3A_1677 = arith.shrsi %get3A_1674, %shift_right_arithmetic3A_1676 : vector<16xi32>
    %shift_left3A_1678 = arith.constant 13 : i32
    %shift_left3A_1679 = vector.broadcast %shift_left3A_1678 : i32 to vector<16xi32>
    %shift_left3A_1680 = arith.shli %shift_right_arithmetic3A_1677, %shift_left3A_1679 : vector<16xi32>
    %and3A_1681 = arith.constant 8191 : i32
    %and3A_1682 = vector.broadcast %and3A_1681 : i32 to vector<16xi32>
    %and3A_1683 = arith.andi %get3A_1674, %and3A_1682 : vector<16xi32>
    %add3A_1684 = arith.addi %shift_left3A_1680, %and3A_1683 : vector<16xi32>
    %mul3A_1685 = arith.constant 2 : i32
    %mul3A_1686 = vector.broadcast %mul3A_1685 : i32 to vector<16xi32>
    %mul3A_1687 = arith.muli %add3A_1684, %mul3A_1686 : vector<16xi32>
    %shift_right_arithmetic3A_1688 = arith.constant 13 : i32
    %shift_right_arithmetic3A_1689 = vector.broadcast %shift_right_arithmetic3A_1688 : i32 to vector<16xi32>
    %shift_right_arithmetic3A_1690 = arith.shrsi %get3A_1674, %shift_right_arithmetic3A_1689 : vector<16xi32>
    %and3A_1691 = arith.constant 1 : i32
    %and3A_1692 = vector.broadcast %and3A_1691 : i32 to vector<16xi32>
    %and3A_1693 = arith.andi %shift_right_arithmetic3A_1690, %and3A_1692 : vector<16xi32>
    %add3A_1694 = arith.addi %mul3A_1687, %and3A_1693 : vector<16xi32>
    %swap3A_1695 = arith.constant 496 : index
    %swap3A_1696 = tpu.vector_load %arg10[%swap3A_1695] {strides = array<i32>} : memref<512xi32, #tpu.memory_space<vmem>>, vector<16xi32>,
    %swap3A_1697 = vector.shape_cast %swap3A_1696 : vector<16xi32> to vector<16xi32>
    %swap3A_1698 = vector.shape_cast %add3A_1694 : vector<16xi32> to vector<16xi32>
    tpu.vector_store %arg10[%swap3A_1695], %swap3A_1698 {strides = array<i32>} : memref<512xi32, #tpu.memory_space<vmem>>, vector<16xi32>,
    %get3A_1699 = arith.constant 496 : index
    %get3A_1700 = tpu.vector_load %arg11[%get3A_1699] {strides = array<i32>} : memref<512xi32, #tpu.memory_space<vmem>>, vector<16xi32>,
    %get3A_1701 = vector.shape_cast %get3A_1700 : vector<16xi32> to vector<16xi32>
    %shift_right_arithmetic3A_1702 = arith.constant 14 : i32
    %shift_right_arithmetic3A_1703 = vector.broadcast %shift_right_arithmetic3A_1702 : i32 to vector<16xi32>
    %shift_right_arithmetic3A_1704 = arith.shrsi %get3A_1701, %shift_right_arithmetic3A_1703 : vector<16xi32>
    %shift_left3A_1705 = arith.constant 13 : i32
    %shift_left3A_1706 = vector.broadcast %shift_left3A_1705 : i32 to vector<16xi32>
    %shift_left3A_1707 = arith.shli %shift_right_arithmetic3A_1704, %shift_left3A_1706 : vector<16xi32>
    %and3A_1708 = arith.constant 8191 : i32
    %and3A_1709 = vector.broadcast %and3A_1708 : i32 to vector<16xi32>
    %and3A_1710 = arith.andi %get3A_1701, %and3A_1709 : vector<16xi32>
    %add3A_1711 = arith.addi %shift_left3A_1707, %and3A_1710 : vector<16xi32>
    %mul3A_1712 = arith.constant 2 : i32
    %mul3A_1713 = vector.broadcast %mul3A_1712 : i32 to vector<16xi32>
    %mul3A_1714 = arith.muli %add3A_1711, %mul3A_1713 : vector<16xi32>
    %shift_right_arithmetic3A_1715 = arith.constant 13 : i32
    %shift_right_arithmetic3A_1716 = vector.broadcast %shift_right_arithmetic3A_1715 : i32 to vector<16xi32>
    %shift_right_arithmetic3A_1717 = arith.shrsi %get3A_1701, %shift_right_arithmetic3A_1716 : vector<16xi32>
    %and3A_1718 = arith.constant 1 : i32
    %and3A_1719 = vector.broadcast %and3A_1718 : i32 to vector<16xi32>
    %and3A_1720 = arith.andi %shift_right_arithmetic3A_1717, %and3A_1719 : vector<16xi32>
    %add3A_1721 = arith.addi %mul3A_1714, %and3A_1720 : vector<16xi32>
    %swap3A_1722 = arith.constant 496 : index
    %swap3A_1723 = tpu.vector_load %arg11[%swap3A_1722] {strides = array<i32>} : memref<512xi32, #tpu.memory_space<vmem>>, vector<16xi32>,
    %swap3A_1724 = vector.shape_cast %swap3A_1723 : vector<16xi32> to vector<16xi32>
    %swap3A_1725 = vector.shape_cast %add3A_1721 : vector<16xi32> to vector<16xi32>
    tpu.vector_store %arg11[%swap3A_1722], %swap3A_1725 {strides = array<i32>} : memref<512xi32, #tpu.memory_space<vmem>>, vector<16xi32>,
    %dma_start3A = arith.constant 0 : i32
    %dma_start3A_1726 = arith.constant 0 : i32
    %dma_start3A_1727 = tpu.memref_slice %arg2[%dma_start3A, %dma_start3A_1726] : memref<1015808x64xf32, #tpu.memory_space<hbm>> -> memref<1015808x64xf32, #tpu.memory_space<hbm>>
    tpu.enqueue_indirect_dma source(%dma_start3A_1727 : memref<1015808x64xf32, #tpu.memory_space<hbm>>) target(%arg13 : memref<512x64xf32, #tpu.memory_space<vmem>>) offsets(%arg10 : memref<512xi32, #tpu.memory_space<vmem>>) semaphore(%arg16 : memref<!tpu.dma_semaphore, #tpu.memory_space<semaphore_mem>>)
    %dma_start3A_1728 = arith.constant 0 : i32
    %dma_start3A_1729 = arith.constant 0 : i32
    %dma_start3A_1730 = tpu.memref_slice %arg2[%dma_start3A_1728, %dma_start3A_1729] : memref<1015808x64xf32, #tpu.memory_space<hbm>> -> memref<1015808x64xf32, #tpu.memory_space<hbm>>
    tpu.enqueue_indirect_dma source(%dma_start3A_1730 : memref<1015808x64xf32, #tpu.memory_space<hbm>>) target(%arg14 : memref<512x64xf32, #tpu.memory_space<vmem>>) offsets(%arg11 : memref<512xi32, #tpu.memory_space<vmem>>) semaphore(%arg17 : memref<!tpu.dma_semaphore, #tpu.memory_space<semaphore_mem>>)
    %dma_start3A_1731 = arith.constant 0 : i32
    %dma_start3A_1732 = arith.constant 0 : i32
    %dma_start3A_1733 = tpu.memref_slice %arg3[%dma_start3A_1731, %dma_start3A_1732] : memref<1000x64xf32, #tpu.memory_space<hbm>> -> memref<1000x64xf32, #tpu.memory_space<hbm>>
    tpu.enqueue_indirect_dma source(%dma_start3A_1733 : memref<1000x64xf32, #tpu.memory_space<hbm>>) target(%arg15 : memref<512x64xf32, #tpu.memory_space<vmem>>) offsets(%arg12 : memref<512xi32, #tpu.memory_space<vmem>>) semaphore(%arg18 : memref<!tpu.dma_semaphore, #tpu.memory_space<semaphore_mem>>)
    %dma_wait3A = arith.constant 0 : i32
    %dma_wait3A_1734 = arith.constant 0 : i32
    %dma_wait3A_1735 = tpu.memref_slice %arg2[%dma_wait3A, %dma_wait3A_1734] : memref<1015808x64xf32, #tpu.memory_space<hbm>> -> memref<1015808x64xf32, #tpu.memory_space<hbm>>
    tpu.wait_indirect_dma semaphore(%arg16 : memref<!tpu.dma_semaphore, #tpu.memory_space<semaphore_mem>>) src(%dma_wait3A_1735 : memref<1015808x64xf32, #tpu.memory_space<hbm>>) dst(%arg13 : memref<512x64xf32, #tpu.memory_space<vmem>>)
    "tpu.region"() ({
      %run_scoped3A = tpu.sem_alloc : memref<!tpu.dma_semaphore, #tpu.memory_space<semaphore_mem>>
      %dma_start3A_1742 = arith.constant 0 : i32
      %dma_start3A_1743 = tpu.memref_slice %arg7[%mul3A_2, %dma_start3A_1742] : memref<16384x64xf32, #tpu.memory_space<hbm>> -> memref<512x64xf32, #tpu.memory_space<hbm>>
      %dma_start3A_1744 = arith.constant 0 : i32
      %dma_start3A_1745 = tpu.memref_slice %arg7[%mul3A_2, %dma_start3A_1744] : memref<16384x64xf32, #tpu.memory_space<hbm>> -> memref<512x64xf32, #tpu.memory_space<hbm>>
      tpu.enqueue_dma source(%arg13 : memref<512x64xf32, #tpu.memory_space<vmem>>) target(%dma_start3A_1745 : memref<512x64xf32, #tpu.memory_space<hbm>>) target_semaphore(%run_scoped3A : memref<!tpu.dma_semaphore, #tpu.memory_space<semaphore_mem>>)
      %dma_wait3A_1746 = arith.constant 0 : i32
      %dma_wait3A_1747 = tpu.memref_slice %arg7[%mul3A_2, %dma_wait3A_1746] : memref<16384x64xf32, #tpu.memory_space<hbm>> -> memref<512x64xf32, #tpu.memory_space<hbm>>
      %dma_wait3A_1748 = arith.constant 0 : i32
      %dma_wait3A_1749 = tpu.memref_slice %arg7[%mul3A_2, %dma_wait3A_1748] : memref<16384x64xf32, #tpu.memory_space<hbm>> -> memref<512x64xf32, #tpu.memory_space<hbm>>
      tpu.wait_dma2 semaphore(%run_scoped3A : memref<!tpu.dma_semaphore, #tpu.memory_space<semaphore_mem>>) src(%arg13 : memref<512x64xf32, #tpu.memory_space<vmem>>) dst(%dma_wait3A_1749 : memref<512x64xf32, #tpu.memory_space<hbm>>)
      tpu.yield
    }) : () -> ()
    %dma_wait3A_1736 = arith.constant 0 : i32
    %dma_wait3A_1737 = arith.constant 0 : i32
    %dma_wait3A_1738 = tpu.memref_slice %arg2[%dma_wait3A_1736, %dma_wait3A_1737] : memref<1015808x64xf32, #tpu.memory_space<hbm>> -> memref<1015808x64xf32, #tpu.memory_space<hbm>>
    tpu.wait_indirect_dma semaphore(%arg17 : memref<!tpu.dma_semaphore, #tpu.memory_space<semaphore_mem>>) src(%dma_wait3A_1738 : memref<1015808x64xf32, #tpu.memory_space<hbm>>) dst(%arg14 : memref<512x64xf32, #tpu.memory_space<vmem>>)
    "tpu.region"() ({
      %run_scoped3A = tpu.sem_alloc : memref<!tpu.dma_semaphore, #tpu.memory_space<semaphore_mem>>
      %dma_start3A_1742 = arith.constant 0 : i32
      %dma_start3A_1743 = tpu.memref_slice %arg8[%mul3A_2, %dma_start3A_1742] : memref<16384x64xf32, #tpu.memory_space<hbm>> -> memref<512x64xf32, #tpu.memory_space<hbm>>
      %dma_start3A_1744 = arith.constant 0 : i32
      %dma_start3A_1745 = tpu.memref_slice %arg8[%mul3A_2, %dma_start3A_1744] : memref<16384x64xf32, #tpu.memory_space<hbm>> -> memref<512x64xf32, #tpu.memory_space<hbm>>
      tpu.enqueue_dma source(%arg14 : memref<512x64xf32, #tpu.memory_space<vmem>>) target(%dma_start3A_1745 : memref<512x64xf32, #tpu.memory_space<hbm>>) target_semaphore(%run_scoped3A : memref<!tpu.dma_semaphore, #tpu.memory_space<semaphore_mem>>)
      %dma_wait3A_1746 = arith.constant 0 : i32
      %dma_wait3A_1747 = tpu.memref_slice %arg8[%mul3A_2, %dma_wait3A_1746] : memref<16384x64xf32, #tpu.memory_space<hbm>> -> memref<512x64xf32, #tpu.memory_space<hbm>>
      %dma_wait3A_1748 = arith.constant 0 : i32
      %dma_wait3A_1749 = tpu.memref_slice %arg8[%mul3A_2, %dma_wait3A_1748] : memref<16384x64xf32, #tpu.memory_space<hbm>> -> memref<512x64xf32, #tpu.memory_space<hbm>>
      tpu.wait_dma2 semaphore(%run_scoped3A : memref<!tpu.dma_semaphore, #tpu.memory_space<semaphore_mem>>) src(%arg14 : memref<512x64xf32, #tpu.memory_space<vmem>>) dst(%dma_wait3A_1749 : memref<512x64xf32, #tpu.memory_space<hbm>>)
      tpu.yield
    }) : () -> ()
    %dma_wait3A_1739 = arith.constant 0 : i32
    %dma_wait3A_1740 = arith.constant 0 : i32
    %dma_wait3A_1741 = tpu.memref_slice %arg3[%dma_wait3A_1739, %dma_wait3A_1740] : memref<1000x64xf32, #tpu.memory_space<hbm>> -> memref<1000x64xf32, #tpu.memory_space<hbm>>
    tpu.wait_indirect_dma semaphore(%arg18 : memref<!tpu.dma_semaphore, #tpu.memory_space<semaphore_mem>>) src(%dma_wait3A_1741 : memref<1000x64xf32, #tpu.memory_space<hbm>>) dst(%arg15 : memref<512x64xf32, #tpu.memory_space<vmem>>)
    "tpu.region"() ({
      %run_scoped3A = tpu.sem_alloc : memref<!tpu.dma_semaphore, #tpu.memory_space<semaphore_mem>>
      %dma_start3A_1742 = arith.constant 0 : i32
      %dma_start3A_1743 = tpu.memref_slice %arg9[%mul3A_2, %dma_start3A_1742] : memref<16384x64xf32, #tpu.memory_space<hbm>> -> memref<512x64xf32, #tpu.memory_space<hbm>>
      %dma_start3A_1744 = arith.constant 0 : i32
      %dma_start3A_1745 = tpu.memref_slice %arg9[%mul3A_2, %dma_start3A_1744] : memref<16384x64xf32, #tpu.memory_space<hbm>> -> memref<512x64xf32, #tpu.memory_space<hbm>>
      tpu.enqueue_dma source(%arg15 : memref<512x64xf32, #tpu.memory_space<vmem>>) target(%dma_start3A_1745 : memref<512x64xf32, #tpu.memory_space<hbm>>) target_semaphore(%run_scoped3A : memref<!tpu.dma_semaphore, #tpu.memory_space<semaphore_mem>>)
      %dma_wait3A_1746 = arith.constant 0 : i32
      %dma_wait3A_1747 = tpu.memref_slice %arg9[%mul3A_2, %dma_wait3A_1746] : memref<16384x64xf32, #tpu.memory_space<hbm>> -> memref<512x64xf32, #tpu.memory_space<hbm>>
      %dma_wait3A_1748 = arith.constant 0 : i32
      %dma_wait3A_1749 = tpu.memref_slice %arg9[%mul3A_2, %dma_wait3A_1748] : memref<16384x64xf32, #tpu.memory_space<hbm>> -> memref<512x64xf32, #tpu.memory_space<hbm>>
      tpu.wait_dma2 semaphore(%run_scoped3A : memref<!tpu.dma_semaphore, #tpu.memory_space<semaphore_mem>>) src(%arg15 : memref<512x64xf32, #tpu.memory_space<vmem>>) dst(%dma_wait3A_1749 : memref<512x64xf32, #tpu.memory_space<hbm>>)
      tpu.yield
    }) : () -> ()
    return
  }
}

module attributes {stable_mosaic.version = 14 : i64} {
  func.func @_relayout_body(%arg0: i32, %arg1: memref<64x16384xf32, #tpu.memory_space<vmem>>, %arg2: memref<8192x128xf32, #tpu.memory_space<vmem>>) attributes {dimension_semantics = [#tpu.dimension_semantics<arbitrary>], iteration_bounds = array<i64: 62>, scalar_prefetch = 0 : i64, scratch_operands = 0 : i64, tpu.core_type = #tpu.core_type<tc>, window_params = [{transform_indices = @transform_0, window_bounds = array<i64: 64, 16384>}, {transform_indices = @transform_1, window_bounds = array<i64: 8192, 128>}]} {
    %get3A = arith.constant 0 : index
    %get3A_0 = arith.constant 0 : index
    %get3A_1 = vector.load %arg1[%get3A, %get3A_0] : memref<64x16384xf32, #tpu.memory_space<vmem>>, vector<64x16384xf32>
    %transpose3A = tpu.transpose %get3A_1, [1, 0] : vector<64x16384xf32> -> vector<16384x64xf32>
    %slice3A = vector.extract_strided_slice %transpose3A {offsets = [0, 0], sizes = [8192, 64], strides = [1, 1]} : vector<16384x64xf32> to vector<8192x64xf32>
    %swap3A = arith.constant 0 : index
    %swap3A_2 = arith.constant 0 : index
    %swap3A_3 = vector.load %arg2[%swap3A, %swap3A_2] : memref<8192x128xf32, #tpu.memory_space<vmem>>, vector<8192x64xf32>
    tpu.vector_store %arg2[%swap3A, %swap3A_2], %slice3A {strides = array<i32>} : memref<8192x128xf32, #tpu.memory_space<vmem>>, vector<8192x64xf32>,
    %slice3A_4 = vector.extract_strided_slice %transpose3A {offsets = [8192, 0], sizes = [8192, 64], strides = [1, 1]} : vector<16384x64xf32> to vector<8192x64xf32>
    %swap3A_5 = arith.constant 0 : index
    %swap3A_6 = arith.constant 64 : index
    %swap3A_7 = vector.load %arg2[%swap3A_5, %swap3A_6] : memref<8192x128xf32, #tpu.memory_space<vmem>>, vector<8192x64xf32>
    tpu.vector_store %arg2[%swap3A_5, %swap3A_6], %slice3A_4 {strides = array<i32>} : memref<8192x128xf32, #tpu.memory_space<vmem>>, vector<8192x64xf32>,
    return
  }
  func.func @transform_0(%arg0: i32) -> (i32, i32) {
    %c0_i32 = arith.constant 0 : i32
    %c0_i32_0 = arith.constant 0 : i32
    return %c0_i32, %arg0 : i32, i32
  }
  func.func @transform_1(%arg0: i32) -> (i32, i32) {
    %c0_i32 = arith.constant 0 : i32
    %c0_i32_0 = arith.constant 0 : i32
    return %arg0, %c0_i32 : i32, i32
  }
}

module attributes {stable_mosaic.version = 14 : i64} {
  func.func @_score_body(%arg0: i32, %arg1: memref<64x128xf32, #tpu.memory_space<vmem>>, %arg2: memref<2048x64xf32, #tpu.memory_space<vmem>>, %arg3: memref<2048x64xf32, #tpu.memory_space<vmem>>, %arg4: memref<2048x64xf32, #tpu.memory_space<vmem>>, %arg5: memref<2048xf32, #tpu.memory_space<vmem>>) attributes {dimension_semantics = [#tpu.dimension_semantics<arbitrary>], iteration_bounds = array<i64: 8>, scalar_prefetch = 0 : i64, scratch_operands = 0 : i64, tpu.core_type = #tpu.core_type<tc>, window_params = [{pipeline_mode = #tpu.pipeline_mode<synchronous>, transform_indices = @transform_0, window_bounds = array<i64: 64, 128>}, {transform_indices = @transform_1, window_bounds = array<i64: 2048, 64>}, {transform_indices = @transform_2, window_bounds = array<i64: 2048, 64>}, {transform_indices = @transform_3, window_bounds = array<i64: 2048, 64>}, {transform_indices = @transform_4, window_bounds = array<i64: 2048>}]} {
    %get3A = arith.constant 0 : index
    %get3A_0 = arith.constant 0 : index
    %get3A_1 = vector.load %arg1[%get3A, %get3A_0] : memref<64x128xf32, #tpu.memory_space<vmem>>, vector<64x128xf32>
    %get3A_2 = arith.constant 0 : index
    %get3A_3 = arith.constant 0 : index
    %get3A_4 = vector.load %arg2[%get3A_2, %get3A_3] : memref<2048x64xf32, #tpu.memory_space<vmem>>, vector<2048x64xf32>
    %dot_general3A = arith.constant dense<0.000000e+00> : vector<2048x128xf32>
    %dot_general3A_5 = tpu.matmul %get3A_4, %get3A_1, %dot_general3A {dimension_numbers = #tpu.dot_dimension_numbers<[1], [0], [0], [1], [0, 0, 1, 1], [], []>, precision = #tpu.contract_precision<fp32>, transpose_lhs_hint = false} : vector<2048x64xf32>, vector<64x128xf32>, vector<2048x128xf32> -> vector<2048x128xf32>
    %get3A_6 = arith.constant 0 : index
    %get3A_7 = arith.constant 0 : index
    %get3A_8 = vector.load %arg3[%get3A_6, %get3A_7] : memref<2048x64xf32, #tpu.memory_space<vmem>>, vector<2048x64xf32>
    %dot_general3A_9 = arith.constant dense<0.000000e+00> : vector<2048x128xf32>
    %dot_general3A_10 = tpu.matmul %get3A_8, %get3A_1, %dot_general3A_9 {dimension_numbers = #tpu.dot_dimension_numbers<[1], [0], [0], [1], [0, 0, 1, 1], [], []>, precision = #tpu.contract_precision<fp32>, transpose_lhs_hint = false} : vector<2048x64xf32>, vector<64x128xf32>, vector<2048x128xf32> -> vector<2048x128xf32>
    %get3A_11 = arith.constant 0 : index
    %get3A_12 = arith.constant 0 : index
    %get3A_13 = vector.load %arg4[%get3A_11, %get3A_12] : memref<2048x64xf32, #tpu.memory_space<vmem>>, vector<2048x64xf32>
    %dot_general3A_14 = arith.constant dense<0.000000e+00> : vector<2048x128xf32>
    %dot_general3A_15 = tpu.matmul %get3A_13, %get3A_1, %dot_general3A_14 {dimension_numbers = #tpu.dot_dimension_numbers<[1], [0], [0], [1], [0, 0, 1, 1], [], []>, precision = #tpu.contract_precision<fp32>, transpose_lhs_hint = false} : vector<2048x64xf32>, vector<64x128xf32>, vector<2048x128xf32> -> vector<2048x128xf32>
    %slice3A = vector.extract_strided_slice %dot_general3A_5 {offsets = [0, 0], sizes = [2048, 64], strides = [1, 1]} : vector<2048x128xf32> to vector<2048x64xf32>
    %slice3A_16 = vector.extract_strided_slice %dot_general3A_5 {offsets = [0, 64], sizes = [2048, 64], strides = [1, 1]} : vector<2048x128xf32> to vector<2048x64xf32>
    %slice3A_17 = vector.extract_strided_slice %dot_general3A_10 {offsets = [0, 0], sizes = [2048, 64], strides = [1, 1]} : vector<2048x128xf32> to vector<2048x64xf32>
    %slice3A_18 = vector.extract_strided_slice %dot_general3A_10 {offsets = [0, 64], sizes = [2048, 64], strides = [1, 1]} : vector<2048x128xf32> to vector<2048x64xf32>
    %slice3A_19 = vector.extract_strided_slice %dot_general3A_15 {offsets = [0, 0], sizes = [2048, 64], strides = [1, 1]} : vector<2048x128xf32> to vector<2048x64xf32>
    %slice3A_20 = vector.extract_strided_slice %dot_general3A_15 {offsets = [0, 64], sizes = [2048, 64], strides = [1, 1]} : vector<2048x128xf32> to vector<2048x64xf32>
    %mul3A = arith.mulf %slice3A, %slice3A_17 : vector<2048x64xf32>
    %mul3A_21 = arith.mulf %slice3A_16, %slice3A_18 : vector<2048x64xf32>
    %add3A = arith.addf %mul3A, %mul3A_21 : vector<2048x64xf32>
    %mul3A_22 = arith.mulf %slice3A_19, %add3A : vector<2048x64xf32>
    %mul3A_23 = arith.mulf %slice3A_16, %slice3A_17 : vector<2048x64xf32>
    %mul3A_24 = arith.mulf %slice3A, %slice3A_18 : vector<2048x64xf32>
    %sub3A = arith.subf %mul3A_23, %mul3A_24 : vector<2048x64xf32>
    %mul3A_25 = arith.mulf %slice3A_20, %sub3A : vector<2048x64xf32>
    %sub3A_26 = arith.subf %mul3A_22, %mul3A_25 : vector<2048x64xf32>
    %reduce_sum3A = arith.constant dense<0.000000e+00> : vector<2048xf32>
    %reduce_sum3A_27 = vector.multi_reduction <add>, %sub3A_26, %reduce_sum3A [1] : vector<2048x64xf32> to vector<2048xf32>
    %mul3A_28 = arith.constant 1.562500e-02 : f32
    %mul3A_29 = vector.broadcast %mul3A_28 : f32 to vector<2048xf32>
    %mul3A_30 = arith.mulf %reduce_sum3A_27, %mul3A_29 : vector<2048xf32>
    %logistic3A = arith.negf %mul3A_30 : vector<2048xf32>
    %logistic3A_31 = math.exp %logistic3A : vector<2048xf32>
    %logistic3A_32 = arith.constant 1.000000e+00 : f32
    %logistic3A_33 = vector.broadcast %logistic3A_32 : f32 to vector<2048xf32>
    %logistic3A_34 = arith.addf %logistic3A_33, %logistic3A_31 : vector<2048xf32>
    %logistic3A_35 = arith.divf %logistic3A_33, %logistic3A_34 : vector<2048xf32>
    %swap3A = arith.constant 0 : index
    %swap3A_36 = vector.load %arg5[%swap3A] : memref<2048xf32, #tpu.memory_space<vmem>>, vector<2048xf32>
    tpu.vector_store %arg5[%swap3A], %logistic3A_35 {strides = array<i32>} : memref<2048xf32, #tpu.memory_space<vmem>>, vector<2048xf32>,
    return
  }
  func.func @transform_0(%arg0: i32) -> (i32, i32) {
    %c0_i32 = arith.constant 0 : i32
    %c0_i32_0 = arith.constant 0 : i32
    %c0_i32_1 = arith.constant 0 : i32
    return %c0_i32, %c0_i32_0 : i32, i32
  }
  func.func @transform_1(%arg0: i32) -> (i32, i32) {
    %c0_i32 = arith.constant 0 : i32
    %c0_i32_0 = arith.constant 0 : i32
    return %arg0, %c0_i32 : i32, i32
  }
  func.func @transform_2(%arg0: i32) -> (i32, i32) {
    %c0_i32 = arith.constant 0 : i32
    %c0_i32_0 = arith.constant 0 : i32
    return %arg0, %c0_i32 : i32, i32
  }
  func.func @transform_3(%arg0: i32) -> (i32, i32) {
    %c0_i32 = arith.constant 0 : i32
    %c0_i32_0 = arith.constant 0 : i32
    return %arg0, %c0_i32 : i32, i32
  }
  func.func @transform_4(%arg0: i32) -> i32 {
    %c0_i32 = arith.constant 0 : i32
    return %arg0 : i32
  }
}

</mosaic_0001>

<sc_bundles>
// kernel: kernel.5.cloned.1.call-start
scs
__scs_entry_jumppad:
0x0: {  	(pc) =	sbr.rel $0x88, $3  }
0x1: {  	(tag) =	ssettag $0x0;
	lr =	simm.s32 $0x1  }
0x2: {  	[smem:$0x3F9C] =	sst lr;
	_ =	strace $0xD0000000  }
0x3: {  	_ = 	snop  }
0x4: {  	_ = 	snop  }
0x5: {  	_ = 	snop  }
0x6: {  	_ = 	snop  }
0x7: {  	_ = 	snop  }
__scs_overlays_trampoline_lowered:
0x8: {  	[smem:$0x3FAB] =	sst s0  }
0x9: {  	[smem:$0x3FAC] =	sst s1  }
0xa: {  	[smem:$0x3FAD] =	sst s2  }
0xb: {  	[smem:$0x3FAE] =	sst s3  }
0xc: {  	[smem:$0x3FAF] =	sst s4  }
0xd: {  	[smem:$0x3FB0] =	sst s5  }
0xe: {  	[smem:$0x3FB1] =	sst s6  }
0xf: {  	[smem:$0x3FB2] =	sst s7  }
0x10: {  	[smem:$0x3FB3] =	sst s8  }
0x11: {  	[smem:$0x3FB4] =	sst s9;
	s0 =	simm.s32 @!p0 $0x0  }
0x12: {  	s1 =	sld [smem:$0x3F9A];
	s0 =	simm.s32 @p0 $0x1  }
0x13: {  	[smem:$0x3FB5] =	sst s0;
	s0 =	simm.s32 @!p1 $0x0  }
0x14: {  	s2 =	sld [smem:$0x3F99];
	s0 =	simm.s32 @p1 $0x1  }
0x15: {  	[smem:$0x3FB6] =	sst s0;
	s0 =	simm.s32 @!p2 $0x0  }
0x16: {  	s3 =	sld [smem:$0x3FDB];
	s0 =	simm.s32 @p2 $0x1  }
0x17: {  	s4 =	simm.s32 $0x1BF5;
	[smem:$0x3FB8] =	sst s0  }
0x18: {  	s0 =	sld [smem:$0x3F9B];
	_ =	swait.ge [sflag:s4], $0x0  }
0x19: {  	s7 =	sld [smem:$0x3F9C]  }
0x1a: {  	s8 =	sadd.s32 $0xFFFFE003, lr  }
0x1b: {  	s9 =	sadd.s32 $0xFFFFFEF7, lr;
	s5 =	simm.s32 $0xFFFFFFFF;
	p2 =	slt.u32 s8, $0xFFFFF086  }
0x1c: {  	p1 =	slt.u32 s9, $0xF7A;
	s5 =	simm.s32 @!p2 $0x0  }
0x1d: {  	s5 =	simm.s32 @p1 $0x1;
	p0 =	seq.s32 s7, s2  }
0x1e: {  	s7 =	smul.u32 @!p0 $0xF7A, s2;
	p2 =	seq.s32 @!p0 s5, $0x0  }
0x1f: {  	s9 =	smul.u32 $0xF7A, s1;
	s8 =	simm.s32 @!p0 $0x1BF5;
	p2 =	por !p2, p0  }
0x20: {  	[sflag:s8] =	ssyncset.s32 @!p0 $0xFFFFF086;
	s6 =	sadd.s32 @!p0 s3, s7;
	s7 =	simm.s32 @!p0 $0x108  }
0x21: {  	s3 =	sadd.s32 s3, s9;
	s6 =	sadd.s32 @!p0 $0x88, s6;
	s7 =	simm.s32 @p2 $0x1082  }
0x22: {  	[simem:s7], [sflag:s8] =	dma.local @!p0 [hbm:s6], $0xF7A  }
0x23: {  	s9 =	sor.u32 $0xD0000000, s2;
	s6 =	simm.s32 $0x108;
	_ =	swait.ge @!p0 [sflag:s8], $0x0  }
0x24: {  	s3 =	sadd.s32 $0x88, s3;
	s6 =	simm.s32 @!p1 $0x1082;
	[sflag:s4] =	ssyncset.s32 $0xFFFFF086  }
0x25: {  	[simem:s6], [sflag:s4] =	dma.local [hbm:s3], $0xF7A  }
0x26: {  	[smem:$0x3F9C] =	sst s1;
	(tag) =	ssettag s2;
	_ =	strace s9  }
0x27: {  	s1 =	sld [smem:$0x3FAC]  }
0x28: {  	s2 =	sld [smem:$0x3FAD]  }
0x29: {  	s4 =	sld [smem:$0x3FAF]  }
0x2a: {  	p0 =	seq.s32 s5, $0x0;
	s5 =	sld [smem:$0x3FB0]  }
0x2b: {  	s6 =	sld [smem:$0x3FB1]  }
0x2c: {  	s7 =	sld [smem:$0x3FB2]  }
0x2d: {  	s3 =	simm.s32 $0x108;
	s8 =	sld [smem:$0x3FB3]  }
0x2e: {  	s3 =	simm.s32 @!p0 $0x1082;
	s9 =	sld [smem:$0x3FB4]  }
0x2f: {  	lr =	sadd.s32 s0, s3;
	s0 =	sld [smem:$0x3FAB]  }
0x30: {  	s3 =	sld [smem:$0x3FAE]  }
0x31: {  	[smem:$0x3FB7] =	sst s10  }
0x32: {  	s10 =	sld [smem:$0x3FB5];
	_ =	sdelay $0x3  }
0x33: {  	p0 =	seq.s32 s10, $0x1;
	s10 =	sld [smem:$0x3FB7];
	_ =	sdelay $0x3  }
0x34: {  	[smem:$0x3FB7] =	sst s10  }
0x35: {  	s10 =	sld [smem:$0x3FB6];
	_ =	sdelay $0x3  }
0x36: {  	p1 =	seq.s32 s10, $0x1;
	s10 =	sld [smem:$0x3FB7];
	_ =	sdelay $0x3  }
0x37: {  	[smem:$0x3FB7] =	sst s10  }
0x38: {  	s10 =	sld [smem:$0x3FB8]  }
0x39: {  	_ = 	snop;
	(pc) =	sbr.ind lr, $3  }
0x3a: {  	_ = 	snop  }
0x3b: {  	_ = 	snop  }
0x3c: {  	p2 =	seq.s32 s10, $0x1;
	s10 =	sld [smem:$0x3FB7]  }
0x3d: {  	_ =	shalt  }
0x3e: {  	_ =	shalt  }
0x3f: {  	_ =	shalt  }
0x40: {  	_ =	shalt  }
0x41: {  	_ =	shalt  }
0x42: {  	_ =	shalt  }
0x43: {  	_ =	shalt  }
0x44: {  	_ =	shalt  }
0x45: {  	_ =	shalt  }
0x46: {  	_ =	shalt  }
0x47: {  	_ =	shalt  }
0x48: {  	_ =	shalt  }
0x49: {  	_ =	shalt  }
0x4a: {  	_ =	shalt  }
0x4b: {  	_ =	shalt  }
0x4c: {  	_ =	shalt  }
0x4d: {  	_ =	shalt  }
0x4e: {  	_ =	shalt  }
0x4f: {  	_ =	shalt  }
0x50: {  	_ =	shalt  }
0x51: {  	_ =	shalt  }
0x52: {  	_ =	shalt  }
0x53: {  	_ =	shalt  }
0x54: {  	_ =	shalt  }
0x55: {  	_ =	shalt  }
0x56: {  	_ =	shalt  }
0x57: {  	_ =	shalt  }
0x58: {  	_ =	shalt  }
0x59: {  	_ =	shalt  }
0x5a: {  	_ =	shalt  }
0x5b: {  	_ =	shalt  }
0x5c: {  	_ =	shalt  }
0x5d: {  	_ =	shalt  }
0x5e: {  	_ =	shalt  }
0x5f: {  	_ =	shalt  }
0x60: {  	_ =	shalt  }
0x61: {  	_ =	shalt  }
0x62: {  	_ =	shalt  }
0x63: {  	_ =	shalt  }
0x64: {  	_ =	shalt  }
0x65: {  	_ =	shalt  }
0x66: {  	_ =	shalt  }
0x67: {  	_ =	shalt  }
0x68: {  	_ =	shalt  }
0x69: {  	_ =	shalt  }
0x6a: {  	_ =	shalt  }
0x6b: {  	_ =	shalt  }
0x6c: {  	_ =	shalt  }
0x6d: {  	_ =	shalt  }
0x6e: {  	_ =	shalt  }
0x6f: {  	_ =	shalt  }
0x70: {  	_ =	shalt  }
0x71: {  	_ =	shalt  }
0x72: {  	_ =	shalt  }
0x73: {  	_ =	shalt  }
0x74: {  	_ =	shalt  }
0x75: {  	_ =	shalt  }
0x76: {  	_ =	shalt  }
0x77: {  	_ =	shalt  }
0x78: {  	_ =	shalt  }
0x79: {  	_ =	shalt  }
0x7a: {  	_ =	shalt  }
0x7b: {  	_ =	shalt  }
0x7c: {  	_ =	shalt  }
0x7d: {  	_ =	shalt  }
0x7e: {  	_ =	shalt  }
0x7f: {  	_ =	shalt  }
0x80: {  	_ =	shalt  }
0x81: {  	_ =	shalt  }
0x82: {  	_ =	shalt  }
0x83: {  	_ =	shalt  }
0x84: {  	_ =	shalt  }
0x85: {  	_ =	shalt  }
0x86: {  	_ =	shalt  }
0x87: {  	_ =	shalt  }
.Lfunc_end0:
.L_simem_size_0:
called_computation_lowered:
.L_overlay_start_0:
0x88: {  	s2 =	sld [smem:$0x3FD9]  }
0x89: {  	s3 =	sld [smem:$0x3FFE];
	_ =	sdelay $0x1  }
0x8a: {  	s1 =	srdreg.scid  }
0x8b: {  	s0 =	sand.u32 $0x1, s1  }
0x8c: {  	s17 =	sshll.u32 s0, $0xA;
	s2 =	sadd.s32 s3, s2  }
0x8d: {  	s2 =	sadd.s32 s2, s17  }
0x8e: {  	[smem:$0x3FC3] =	sst s2  }
0x8f: {  	_ = 	snop  }
0x90: {  	s2 =	sld [smem:$0x3FC7]  }
0x91: {  	s18 =	sld [smem:$0x3FC6]  }
0x92: {  	s4 =	sld [smem:$0x3FC5];
	(tm) =	ssettm $0x1  }
0x93: {  	s5 =	sld [smem:$0x3FFB];
	_ =	sdelay $0x3  }
0x94: {  	_ =	strace s5  }
0x95: {  	s5 =	sld [smem:$0x3FFC];
	_ =	sdelay $0x3  }
0x96: {  	_ =	strace s5  }
0x97: {  	s5 =	sld [smem:$0x3FFD];
	_ =	sdelay $0x3  }
0x98: {  	_ =	strace s5  }
0x99: {  	_ =	strace $0x8FFFFFFF  }
0x9a: {  	s19 =	sld [smem:$0x3FDB];
	_ =	sdelay $0x1  }
0x9b: {  	s6 =	simm.s32 $_scs_section_size  }
0x9c: {  	s7 =	simm.s32 $_size__tile_overlayer_lowered;
	s8 =	simm.s32 $_tile_overlayer_lowered  }
0x9d: {  	s22 =	simm.s32 $0x1BFF;
	s21 =	sshll.u32 s8, $0x1;
	s5 =	sadd.s32 s6, s19  }
0x9e: {  	s9 =	simm.s32 $0x0;
	s20 =	sshll.u32 s7, $0x1;
	s7 =	sadd.s32 s21, s5  }
0x9f: {  	[timem:s9], [sflag:s22] =	dma.local [hbm:s7], s20  }
0xa0: {  	_ =	swait.ge [sflag:s22], s20  }
0xa1: {  	s6 =	ssub.s32 $0x0, s20;
	[sflag:s22] =	ssyncset.done $0x0  }
0xa2: {  	[sflag:s22] =	ssyncadd.s32 s6;
	_ =	sdelay $0x1  }
0xa3: {  	s23 =	simm.s32 $0x1B8B  }
0xa4: {  	_ =	swait.ge [sflag:s23], $0x1  }
0xa5: {  	[sflag:s23] =	ssyncset.done $0x0  }
0xa6: {  	s25 =	simm.s32 $0x1B8E;
	s24 =	sld [smem:$0x3FFE];
	[sflag:s23] =	ssyncadd.s32 $0xFFFFFFFF  }
0xa7: {  	s26 =	simm.s32 $execute0_lowered;
	[smem:$0x3FD2] =	sst s25  }
0xa8: {  	s7 =	sshll.u32 s26, $0x1;
	_ =	strace $0x80000046;
	[dreg:$0x1] =	wrdreg $0xFFFFFFFF  }
0xa9: {  	s28 =	simm.s32 $_size_execute0_lowered;
	s5 =	sadd.s32 s5, s7;
	[dreg:$0x0] =	wrdreg $0x0  }
0xaa: {  	s7 =	sshll.u32 s28, $0x1;
	[dreg:$0x2] =	wrdreg s5  }
0xab: {  	[dreg:$0x3] =	wrdreg s7  }
0xac: {  	[dreg:$0x4] =	wrdreg $0xC0  }
0xad: {  	_ =	task [dreg:s9], $0x5FFFF  }
0xae: {  	[dreg:$0x1] =	wrdreg $0xFFFFFFFF  }
0xaf: {  	[dreg:$0x0] =	wrdreg $0x60  }
0xb0: {  	[dreg:$0x2] =	wrdreg s24  }
0xb1: {  	[dreg:$0x3] =	wrdreg s2  }
0xb2: {  	[dreg:$0x4] =	wrdreg s18  }
0xb3: {  	[dreg:$0x5] =	wrdreg s4  }
0xb4: {  	[dreg:$0x6] =	wrdreg $0x9  }
0xb5: {  	_ =	task.clear_ibuf [dreg:s9], $0x7FFFF;
	_ =	strace $0x90000046  }
0xb6: {  	s29 =	simm.s32 $0x9;
	_ =	strace $0x80000048  }
0xb7: {  	_ =	swait.ge [sflag:s29], $0x1  }
0xb8: {  	[sflag:s29] =	ssyncadd.s32 $0xFFFFFFFF  }
0xb9: {  	_ =	strace $0x90000048  }
0xba: {  	_ =	sfence  }
0xbb: {  	s30 =	sld [smem:$0x0];
	_ =	sdelay $0x2  }
0xbc: {  	s31 =	sshll.u32 s1, $0xD;
	s1 =	sshrl.u32 s1, $0x2  }
0xbd: {  	s3 =	sand.u32 $0x4000, s31;
	s1 =	sadd.s32 s1, s30  }
0xbe: {  	s0 =	sor.u32 s3, s0;
	s1 =	sshll.u32 s1, $0x11  }
0xbf: {  	s0 =	sor.u32 s1, s0  }
0xc0: {  	s0 =	sadd.s32 $0x8F2B, s0  }
0xc1: {  	[sflag:s0] =	ssyncadd.remote.s32 $0x1  }
0xc2: {  	_ =	sfence.sel $0xFFFF  }
0xc3: {  	[dreg:$0x0] =	wrdreg $0xFFFFFFFF;
	(pc) =	sbr.abs _section_cstart, $3  }
0xc4: {  	[dreg:$0x1] =	wrdreg $0xFFFFFFFF  }
0xc5: {  	_ =	task.clear_ibuf [dreg:s9], $0x2FFFF;
	_ =	strace $0x9FFFFFFF  }
0xc6: {  	(tm) =	ssettm $0x7FFFFFFF  }
0xc7: {  	_ =	shalt  }
tec
execute0_lowered:
.L_overlay_start_1:
0x0: {  	(tag) =	ssettag $0x1  }
0x1: {  	s5 =	rddreg [dreg:$0x0]  }
0x2: {  	s6 =	rddreg [dreg:$0x1]  }
0x3: {  	s7 =	rddreg [dreg:$0x2]  }
0x4: {  	s8 =	rddreg [dreg:$0x3]  }
0x5: {  	s0 =	rddreg [dreg:$0x4]  }
0x6: {  	s2 =	simm.s32 $0x0;
	s3 =	srdreg.scid;
	s1 =	stileid.u32  }
0x7: {  	s13 =	simm.s32 $0x200;
	s14 =	simm.s32 $0x400;
	s15 =	simm.s32 $0x600  }
0x8: {  	s16 =	simm.s32 $0x8600;
	s17 =	simm.s32 $0x10600;
	s18 =	simm.s32 $0x1  }
0x9: {  	s19 =	simm.s32 $0x2;
	s20 =	simm.s32 $0x3;
	[smem:$0x7FF] =	sst s2  }
0xa: {  	s9 =	sand.u32 $0x1, s3;
	s3 =	sadd.s32 $0x2E00, s5;
	s10 =	sshll.u32 s1, $0xA  }
0xb: {  	s4 =	sadd.s32 $0xE00, s5;
	s11 =	sshll.u32 s9, $0x9;
	s9 =	ssub.s32 $0x2, s9  }
0xc: {  	_ =	strace $0x80000047;
	s10 =	sor.u32 s11, s10;
	s12 =	sshrl.u32 s9, $0x1  }
0xd: {  	s11 =	sshll.u32 s10, $0x3;
	s10 =	sshrl.u32 s10, $0x3;
	s12 =	ssub.s32 s9, s12  }
0xe: {  	s11 =	sadd.s32 s11, s5;
	s5 =	sadd.s32 s6, s10;
	s6 =	sadd.s32 s7, s10  }
0xf: {  	s7 =	sadd.s32 s8, s10;
	s8 =	sadd.s32 $0x7E2E00, s11;
	s9 =	sadd.s32 $0x7C2E00, s11  }
0x10: {  	s10 =	sadd.s32 $0x802E00, s11;
	s11 =	smax.u32 s12, $0x1;
	s12 =	simm.s32 $0x4  }
.LBB2_1:
0x11: {  	[tilespmem:s2], [sflag:$0x4] =	stream.linear.gather [hbm4b:s5+s2], $0x200, $0x38;
	[tilespmem:$0x18600] =	vst v63  }
0x12: {  	_ =	swait.ge [sflag:s12], $0x200  }
0x13: {  	[sflag:s12] =	ssyncset.done $0x0  }
0x14: {  	[sflag:s12] =	ssyncadd.s32 $0xFFFFFE00  }
0x15: {  	[tilespmem:s13], [sflag:$0x4] =	stream.linear.gather [hbm4b:s6+s2], $0x200, $0x38;
	[tilespmem:$0x18600] =	vst v63  }
0x16: {  	_ =	swait.ge [sflag:s12], $0x200  }
0x17: {  	[sflag:s12] =	ssyncset.done $0x0  }
0x18: {  	[sflag:s12] =	ssyncadd.s32 $0xFFFFFE00  }
0x19: {  	[tilespmem:s14], [sflag:$0x4] =	stream.linear.gather [hbm4b:s7+s2], $0x200, $0x38;
	[tilespmem:$0x18600] =	vst v63  }
0x1a: {  	_ =	swait.ge [sflag:s12], $0x200  }
0x1b: {  	[sflag:s12] =	ssyncset.done $0x0  }
0x1c: {  	[sflag:s12] =	ssyncadd.s32 $0xFFFFFE00  }
0x1d: {  	v0 =	vld [tilespmem:$0x0]  }
0x1e: {  	v1 =	vld [tilespmem:$0x200]  }
0x1f: {  	v3 =	vld [tilespmem:$0x10]  }
0x20: {  	v5 =	vld [tilespmem:$0x210]  }
0x21: {  	v7 =	vld [tilespmem:$0x20]  }
0x22: {  	v23 =	vld [tilespmem:$0x220]  }
0x23: {  	v8 =	vld [tilespmem:$0x30]  }
0x24: {  	v28 =	vld [tilespmem:$0x230];
	v2 =	vshll.u32 v0, $0x1;
	v4 =	vand.u32 $0xFFFFC000, v0;
	v0 =	vshrl.u32 v0, $0xD  }
0x25: {  	v10 =	vld [tilespmem:$0x40];
	v18 =	vshll.u32 v1, $0x1;
	v6 =	vand.u32 $0xFFFFC000, v1;
	v1 =	vshrl.u32 v1, $0xD  }
0x26: {  	v11 =	vld [tilespmem:$0x240];
	v20 =	vshll.u32 v3, $0x1;
	v21 =	vand.u32 $0xFFFFC000, v3;
	v3 =	vshrl.u32 v3, $0xD  }
0x27: {  	v36 =	vld [tilespmem:$0x50];
	v22 =	vshll.u32 v5, $0x1;
	v25 =	vand.u32 $0xFFFFC000, v5;
	v26 =	vshrl.u32 v5, $0xD  }
0x28: {  	v13 =	vld [tilespmem:$0x250];
	v27 =	vshll.u32 v7, $0x1;
	v9 =	vand.u32 $0xFFFFC000, v7;
	v7 =	vshrl.u32 v7, $0xD  }
0x29: {  	v14 =	vld [tilespmem:$0x60];
	v29 =	vshll.u32 v23, $0x1;
	v30 =	vand.u32 $0xFFFFC000, v23;
	v31 =	vshll.u32 v8, $0x1  }
0x2a: {  	v45 =	vld [tilespmem:$0x260];
	v33 =	vand.u32 $0xFFFFC000, v8;
	v34 =	vshrl.u32 v8, $0xD;
	v35 =	vshll.u32 v28, $0x1  }
0x2b: {  	v16 =	vld [tilespmem:$0x70];
	v12 =	vand.u32 $0xFFFFC000, v28;
	v37 =	vshll.u32 v10, $0x1;
	v38 =	vand.u32 $0xFFFFC000, v10  }
0x2c: {  	v17 =	vld [tilespmem:$0x270];
	v10 =	vshrl.u32 v10, $0xD;
	v40 =	vshll.u32 v11, $0x1;
	v42 =	vand.u32 $0xFFFFC000, v11  }
0x2d: {  	v54 =	vld [tilespmem:$0x80];
	v43 =	vshrl.u32 v11, $0xD;
	v44 =	vshll.u32 v36, $0x1;
	v15 =	vand.u32 $0xFFFFC000, v36  }
0x2e: {  	v46 =	vshll.u32 v13, $0x1;
	v47 =	vand.u32 $0xFFFFC000, v13;
	v13 =	vshrl.u32 v13, $0xD  }
0x2f: {  	v49 =	vshll.u32 v14, $0x1;
	v51 =	vand.u32 $0xFFFFC000, v14;
	v52 =	vshrl.u32 v14, $0xD  }
0x30: {  	v53 =	vshll.u32 v45, $0x1;
	v55 =	vshll.u32 v16, $0x1;
	v56 =	vand.u32 $0xFFFFC000, v16  }
0x31: {  	v16 =	vshrl.u32 v16, $0xD;
	v58 =	vshll.u32 v17, $0x1;
	v60 =	vand.u32 $0xFFFFC000, v17  }
0x32: {  	v61 =	vshrl.u32 v17, $0xD;
	v62 =	vshll.u32 v54, $0x1;
	v2 =	vand.u32 $0x3FFE, v2  }
0x33: {  	v0 =	vand.u32 $0x1, v0;
	v19 =	vand.u32 $0x1, v1;
	v3 =	vand.u32 $0x1, v3  }
0x34: {  	v63 =	vld [tilespmem:$0x290];
	v24 =	vand.u32 $0x3FFE, v22;
	v5 =	vand.u32 $0x3FFE, v27;
	v7 =	vand.u32 $0x1, v7  }
0x35: {  	v32 =	vand.u32 $0x3FFE, v31;
	v8 =	vand.u32 $0x3FFE, v35;
	v39 =	vand.u32 $0x1, v10  }
0x36: {  	v41 =	vand.u32 $0x3FFE, v40;
	v11 =	vand.u32 $0x3FFE, v44;
	v10 =	vand.u32 $0x1, v43  }
0x37: {  	v48 =	vand.u32 $0x1, v13;
	v50 =	vand.u32 $0x3FFE, v49;
	v14 =	vand.u32 $0x3FFE, v53  }
0x38: {  	v13 =	vand.u32 $0x1, v52;
	v57 =	vand.u32 $0x1, v16;
	v59 =	vand.u32 $0x3FFE, v58  }
0x39: {  	v17 =	vand.u32 $0x3FFE, v62;
	v16 =	vand.u32 $0x1, v61;
	v35 =	vshll.u32 v63, $0x1  }
0x3a: {  	v2 =	vor.u32 v4, v2;
	v4 =	vand.u32 $0x3FFE, v18;
	v5 =	vor.u32 v9, v5  }
0x3b: {  	v9 =	vshrl.u32 v28, $0xD;
	v8 =	vor.u32 v12, v8;
	v12 =	vshrl.u32 v36, $0xD  }
0x3c: {  	v11 =	vor.u32 v15, v11;
	v18 =	vand.u32 $0xFFFFC000, v45;
	v15 =	vshrl.u32 v45, $0xD  }
0x3d: {  	v4 =	vor.u32 v6, v4;
	v1 =	vor.u32 v0, v2;
	v2 =	vand.u32 $0x3FFE, v20  }
0x3e: {  	v6 =	vshrl.u32 v23, $0xD;
	v9 =	vand.u32 $0x1, v9;
	v12 =	vand.u32 $0x1, v12  }
0x3f: {  	v14 =	vor.u32 v18, v14;
	v15 =	vand.u32 $0x1, v15;
	v18 =	vshrl.u32 v54, $0xD  }
0x40: {  	v36 =	vld [tilespmem:$0xB0];
	v0 =	vor.u32 v19, v4;
	v2 =	vor.u32 v21, v2;
	v4 =	vand.u32 $0x1, v26  }
0x41: {  	v45 =	vld [tilespmem:$0x2C0];
	v6 =	vand.u32 $0x1, v6;
	v21 =	vand.u32 $0xFFFFC000, v54;
	v18 =	vand.u32 $0x1, v18  }
0x42: {  	v20 =	vld [tilespmem:$0x90];
	v2 =	vor.u32 v3, v2;
	v3 =	vor.u32 v25, v24;
	v17 =	vor.u32 v21, v17  }
0x43: {  	v23 =	vld [tilespmem:$0x2A0];
	v24 =	vand.u32 $0xFFFFC000, v63;
	v21 =	vshrl.u32 v63, $0xD;
	v4 =	vor.u32 v4, v3  }
0x44: {  	v3 =	vor.u32 v7, v5;
	v5 =	vand.u32 $0x3FFE, v29;
	v7 =	vand.u32 $0x1, v34  }
0x45: {  	v19 =	vld [tilespmem:$0x280];
	v21 =	vand.u32 $0x1, v21;
	v5 =	vor.u32 v30, v5;
	v44 =	vshll.u32 v36, $0x1  }
0x46: {  	v27 =	vand.u32 $0xFFFFC000, v36;
	v53 =	vshll.u32 v45, $0x1;
	v5 =	vor.u32 v6, v5  }
0x47: {  	v22 =	vld [tilespmem:$0xA0];
	v6 =	vor.u32 v33, v32;
	v31 =	vshll.u32 v20, $0x1;
	v33 =	vand.u32 $0xFFFFC000, v20  }
0x48: {  	v26 =	vld [tilespmem:$0xC0];
	v34 =	vshrl.u32 v20, $0xD;
	v20 =	vand.u32 $0x3FFE, v35;
	v40 =	vshll.u32 v23, $0x1  }
0x49: {  	v54 =	vld [tilespmem:$0xE0];
	v43 =	vshrl.u32 v23, $0xD;
	v7 =	vor.u32 v7, v6;
	v6 =	vor.u32 v9, v8  }
0x4a: {  	v8 =	vand.u32 $0x3FFE, v37;
	v9 =	vor.u32 v42, v41;
	v28 =	vshll.u32 v19, $0x1  }
0x4b: {  	v29 =	vand.u32 $0xFFFFC000, v19;
	v19 =	vshrl.u32 v19, $0xD;
	v32 =	vand.u32 $0x3FFE, v31  }
0x4c: {  	v20 =	vor.u32 v24, v20;
	v37 =	vshll.u32 v22, $0x1;
	v41 =	vand.u32 $0x3FFE, v40  }
0x4d: {  	v25 =	vld [tilespmem:$0x2B0];
	v42 =	vand.u32 $0xFFFFC000, v23;
	v23 =	vand.u32 $0x3FFE, v44;
	v24 =	vshrl.u32 v36, $0xD  }
0x4e: {  	v49 =	vshll.u32 v26, $0x1;
	v52 =	vshrl.u32 v26, $0xD;
	v62 =	vshll.u32 v54, $0x1  }
0x4f: {  	v63 =	vld [tilespmem:$0x2F0];
	v8 =	vor.u32 v38, v8;
	v10 =	vor.u32 v10, v9;
	v9 =	vor.u32 v12, v11  }
0x50: {  	v11 =	vand.u32 $0x3FFE, v46;
	v12 =	vor.u32 v51, v50;
	v30 =	vand.u32 $0x1, v19  }
0x51: {  	v19 =	vand.u32 $0x1, v34;
	v38 =	vand.u32 $0xFFFFC000, v22;
	v22 =	vshrl.u32 v22, $0xD  }
0x52: {  	v23 =	vor.u32 v27, v23;
	v24 =	vand.u32 $0x1, v24;
	v46 =	vshll.u32 v25, $0x1  }
0x53: {  	v50 =	vand.u32 $0x3FFE, v49;
	v51 =	vand.u32 $0xFFFFC000, v26;
	v26 =	vand.u32 $0x3FFE, v53  }
0x54: {  	v27 =	vshrl.u32 v45, $0xD;
	v44 =	vshll.u32 v63, $0x1;
	v36 =	vand.u32 $0xFFFFC000, v63  }
0x55: {  	v8 =	vor.u32 v39, v8;
	v11 =	vor.u32 v47, v11;
	v13 =	vor.u32 v13, v12  }
0x56: {  	v12 =	vor.u32 v15, v14;
	v14 =	vand.u32 $0x3FFE, v55;
	v15 =	vor.u32 v60, v59  }
0x57: {  	v39 =	vand.u32 $0x1, v22;
	v22 =	vand.u32 $0x1, v43;
	v47 =	vand.u32 $0xFFFFC000, v25  }
0x58: {  	v35 =	vld [tilespmem:$0x300];
	v25 =	vshrl.u32 v25, $0xD;
	v27 =	vand.u32 $0x1, v27;
	v11 =	vor.u32 v48, v11  }
0x59: {  	v14 =	vor.u32 v56, v14;
	v16 =	vor.u32 v16, v15;
	v15 =	vor.u32 v18, v17  }
0x5a: {  	v17 =	vand.u32 $0x3FFE, v28;
	v18 =	vor.u32 v33, v32;
	v48 =	vand.u32 $0x1, v25  }
0x5b: {  	v31 =	vld [tilespmem:$0x2E0];
	v25 =	vand.u32 $0x1, v52;
	v33 =	vand.u32 $0xFFFFC000, v54;
	v14 =	vor.u32 v57, v14  }
0x5c: {  	v17 =	vor.u32 v29, v17;
	v19 =	vor.u32 v19, v18;
	v18 =	vor.u32 v21, v20  }
0x5d: {  	v20 =	vand.u32 $0x3FFE, v37;
	v21 =	vor.u32 v42, v41;
	v49 =	vshll.u32 v35, $0x1  }
0x5e: {  	v52 =	vshrl.u32 v35, $0xD;
	v17 =	vor.u32 v30, v17;
	v20 =	vor.u32 v38, v20  }
0x5f: {  	v34 =	vld [tilespmem:$0x100];
	v22 =	vor.u32 v22, v21;
	v21 =	vor.u32 v24, v23;
	v23 =	vand.u32 $0x3FFE, v46  }
0x60: {  	v24 =	vor.u32 v51, v50;
	v30 =	vand.u32 $0xFFFFC000, v45;
	v37 =	vshll.u32 v31, $0x1  }
0x61: {  	v38 =	vand.u32 $0xFFFFC000, v31;
	v31 =	vshrl.u32 v31, $0xD;
	v50 =	vand.u32 $0x3FFE, v49  }
0x62: {  	v28 =	vld [tilespmem:$0xD0];
	v51 =	vand.u32 $0xFFFFC000, v35;
	v20 =	vor.u32 v39, v20;
	v23 =	vor.u32 v47, v23  }
0x63: {  	v32 =	vld [tilespmem:$0xF0];
	v26 =	vor.u32 v30, v26;
	v25 =	vor.u32 v25, v24;
	v30 =	vshrl.u32 v54, $0xD  }
0x64: {  	v39 =	vand.u32 $0x1, v31;
	v46 =	vshll.u32 v34, $0x1;
	v47 =	vand.u32 $0xFFFFC000, v34  }
0x65: {  	v29 =	vld [tilespmem:$0x2D0];
	v34 =	vshrl.u32 v34, $0xD;
	v23 =	vor.u32 v48, v23;
	v24 =	vor.u32 v27, v26  }
0x66: {  	v30 =	vand.u32 $0x1, v30;
	v48 =	vand.u32 $0x1, v34;
	v34 =	vand.u32 $0x1, v52  }
0x67: {  	v55 =	vshll.u32 v28, $0x1;
	v56 =	vand.u32 $0xFFFFC000, v28;
	v28 =	vshrl.u32 v28, $0xD  }
0x68: {  	v40 =	vshll.u32 v32, $0x1;
	v42 =	vand.u32 $0xFFFFC000, v32;
	v43 =	vshrl.u32 v32, $0xD  }
0x69: {  	v45 =	vld [tilespmem:$0x110];
	v32 =	vand.u32 $0x3FFE, v44;
	v26 =	vand.u32 $0x3FFE, v55;
	v57 =	vand.u32 $0x1, v28  }
0x6a: {  	v58 =	vshll.u32 v29, $0x1;
	v60 =	vand.u32 $0xFFFFC000, v29;
	v61 =	vshrl.u32 v29, $0xD  }
0x6b: {  	v54 =	vld [tilespmem:$0x320];
	v29 =	vand.u32 $0x3FFE, v62;
	v41 =	vand.u32 $0x3FFE, v40;
	v31 =	vand.u32 $0x1, v43  }
0x6c: {  	v32 =	vor.u32 v36, v32;
	v26 =	vor.u32 v56, v26;
	v59 =	vand.u32 $0x3FFE, v58  }
0x6d: {  	v28 =	vand.u32 $0x1, v61;
	v29 =	vor.u32 v33, v29;
	v33 =	vshrl.u32 v63, $0xD  }
0x6e: {  	v53 =	vshll.u32 v45, $0x1;
	v36 =	vshrl.u32 v45, $0xD;
	v26 =	vor.u32 v57, v26  }
0x6f: {  	v27 =	vor.u32 v60, v59;
	v33 =	vand.u32 $0x1, v33;
	v35 =	vand.u32 $0x3FFE, v53  }
0x70: {  	v40 =	vld [tilespmem:$0x130];
	v36 =	vand.u32 $0x1, v36;
	v62 =	vshll.u32 v54, $0x1;
	v28 =	vor.u32 v28, v27  }
0x71: {  	v27 =	vor.u32 v30, v29;
	v29 =	vand.u32 $0x3FFE, v37;
	v30 =	vor.u32 v42, v41  }
0x72: {  	v42 =	vand.u32 $0xFFFFC000, v54;
	v29 =	vor.u32 v38, v29;
	v31 =	vor.u32 v31, v30  }
0x73: {  	v30 =	vor.u32 v33, v32;
	v32 =	vand.u32 $0x3FFE, v46;
	v33 =	vor.u32 v51, v50  }
0x74: {  	v37 =	vld [tilespmem:$0x310];
	v29 =	vor.u32 v39, v29;
	v32 =	vor.u32 v47, v32;
	v39 =	vand.u32 $0xFFFFC000, v45  }
0x75: {  	v41 =	vld [tilespmem:$0x330];
	v34 =	vor.u32 v34, v33;
	v46 =	vshll.u32 v40, $0x1;
	v49 =	vshrl.u32 v40, $0xD  }
0x76: {  	v38 =	vld [tilespmem:$0x120];
	v32 =	vor.u32 v48, v32;
	v35 =	vor.u32 v39, v35;
	v39 =	vshrl.u32 v54, $0xD  }
0x77: {  	v47 =	vand.u32 $0x3FFE, v46;
	v48 =	vand.u32 $0xFFFFC000, v40;
	v50 =	vand.u32 $0x1, v49  }
0x78: {  	[tilespmem:$0x10] =	vst v2;
	v52 =	vld [tilespmem:$0x340];
	v33 =	vor.u32 v36, v35;
	v44 =	vand.u32 $0x1, v39;
	v2 =	vor.u32 v48, v47  }
0x79: {  	[tilespmem:$0x2D0] =	vst v28;
	v28 =	vld [tilespmem:$0x1A0];
	v55 =	vshll.u32 v37, $0x1;
	v56 =	vand.u32 $0xFFFFC000, v37;
	v37 =	vshrl.u32 v37, $0xD  }
0x7a: {  	v51 =	vshll.u32 v41, $0x1;
	v2 =	vor.u32 v50, v2;
	v54 =	vand.u32 $0xFFFFC000, v41  }
0x7b: {  	v45 =	vld [tilespmem:$0x140];
	v35 =	vand.u32 $0x3FFE, v55;
	v57 =	vand.u32 $0x1, v37;
	v58 =	vshll.u32 v38, $0x1  }
0x7c: {  	v60 =	vand.u32 $0xFFFFC000, v38;
	v61 =	vshrl.u32 v38, $0xD;
	v38 =	vand.u32 $0x3FFE, v62  }
0x7d: {  	[tilespmem:$0x0] =	vst v1;
	v53 =	vand.u32 $0x3FFE, v51;
	v55 =	vshrl.u32 v41, $0xD;
	v62 =	vshll.u32 v52, $0x1  }
0x7e: {  	[tilespmem:$0x290] =	vst v18;
	v37 =	vshrl.u32 v52, $0xD;
	v18 =	vshrl.u32 v28, $0xD;
	v35 =	vor.u32 v56, v35  }
0x7f: {  	[tilespmem:$0x200] =	vst v0;
	v40 =	vld [tilespmem:$0x160];
	v59 =	vand.u32 $0x3FFE, v58;
	v63 =	vand.u32 $0x1, v61;
	v43 =	vor.u32 v42, v38  }
0x80: {  	[tilespmem:$0x20] =	vst v3;
	v3 =	vor.u32 v54, v53;
	v56 =	vshll.u32 v45, $0x1;
	v58 =	vand.u32 $0xFFFFC000, v45  }
0x81: {  	[tilespmem:$0x210] =	vst v4;
	v47 =	vld [tilespmem:$0x170];
	v4 =	vand.u32 $0x1, v55;
	v38 =	vand.u32 $0x1, v37;
	v18 =	vand.u32 $0x1, v18  }
0x82: {  	[tilespmem:$0x220] =	vst v5;
	v35 =	vor.u32 v57, v35;
	v36 =	vor.u32 v60, v59;
	v0 =	vor.u32 v44, v43  }
0x83: {  	[tilespmem:$0x30] =	vst v7;
	v5 =	vand.u32 $0x3FFE, v56;
	v59 =	vshrl.u32 v45, $0xD;
	v4 =	vor.u32 v4, v3  }
0x84: {  	[tilespmem:$0x50] =	vst v9;
	v51 =	vld [tilespmem:$0x370];
	v48 =	vshll.u32 v40, $0x1;
	v49 =	vand.u32 $0xFFFFC000, v40;
	v9 =	vshrl.u32 v40, $0xD  }
0x85: {  	[tilespmem:$0x230] =	vst v6;
	v61 =	vld [tilespmem:$0x350];
	v1 =	vor.u32 v63, v36;
	v5 =	vor.u32 v58, v5;
	v60 =	vand.u32 $0x1, v59  }
0x86: {  	[tilespmem:$0x240] =	vst v10;
	v57 =	vld [tilespmem:$0x150];
	v63 =	vand.u32 $0xFFFFC000, v52;
	v9 =	vand.u32 $0x1, v9;
	v55 =	vshll.u32 v47, $0x1  }
0x87: {  	[tilespmem:$0x260] =	vst v12;
	v12 =	vshrl.u32 v47, $0xD;
	v3 =	vor.u32 v60, v5;
	v5 =	vand.u32 $0x3FFE, v62  }
0x88: {  	[tilespmem:$0x250] =	vst v11;
	v45 =	vld [tilespmem:$0x360];
	v11 =	vand.u32 $0x3FFE, v55;
	v12 =	vand.u32 $0x1, v12;
	v5 =	vor.u32 v63, v5  }
0x89: {  	[tilespmem:$0x60] =	vst v13;
	v56 =	vld [tilespmem:$0x180];
	v59 =	vshll.u32 v51, $0x1;
	v60 =	vand.u32 $0xFFFFC000, v51;
	v13 =	vshrl.u32 v51, $0xD  }
0x8a: {  	[tilespmem:$0x40] =	vst v8;
	v5 =	vor.u32 v38, v5;
	v44 =	vshll.u32 v61, $0x1;
	v46 =	vand.u32 $0xFFFFC000, v61  }
0x8b: {  	[tilespmem:$0x80] =	vst v15;
	v7 =	vshrl.u32 v61, $0xD;
	v61 =	vand.u32 $0x1, v13;
	v39 =	vshll.u32 v57, $0x1  }
0x8c: {  	[tilespmem:$0x2A0] =	vst v22;
	v42 =	vand.u32 $0xFFFFC000, v57;
	v43 =	vshrl.u32 v57, $0xD;
	v10 =	vand.u32 $0x3FFE, v44  }
0x8d: {  	[tilespmem:$0xB0] =	vst v21;
	v58 =	vld [tilespmem:$0x380];
	v7 =	vand.u32 $0x1, v7;
	v50 =	vshll.u32 v45, $0x1;
	v53 =	vand.u32 $0xFFFFC000, v45  }
0x8e: {  	[tilespmem:$0xC0] =	vst v25;
	v25 =	vld [tilespmem:$0x390];
	v54 =	vshrl.u32 v45, $0xD;
	v57 =	vand.u32 $0xFFFFC000, v47;
	v62 =	vshll.u32 v56, $0x1  }
0x8f: {  	[tilespmem:$0x2B0] =	vst v23;
	v40 =	vld [tilespmem:$0x3A0];
	v22 =	vand.u32 $0xFFFFC000, v56;
	v23 =	vshrl.u32 v56, $0xD;
	v44 =	vshll.u32 v28, $0x1  }
0x90: {  	[tilespmem:$0x110] =	vst v33;
	v33 =	vld [tilespmem:$0x1E0];
	v41 =	vand.u32 $0x3FFE, v39;
	v8 =	vand.u32 $0x1, v43;
	v10 =	vor.u32 v46, v10  }
0x91: {  	[tilespmem:$0x2C0] =	vst v24;
	v52 =	vand.u32 $0x3FFE, v50;
	v11 =	vor.u32 v57, v11;
	v21 =	vand.u32 $0x3FFE, v62  }
0x92: {  	[tilespmem:$0xD0] =	vst v26;
	v24 =	vshll.u32 v58, $0x1;
	v26 =	vand.u32 $0xFFFFC000, v58;
	v15 =	vshrl.u32 v58, $0xD  }
0x93: {  	[tilespmem:$0x310] =	vst v35;
	v35 =	vld [tilespmem:$0x3E0];
	v13 =	vand.u32 $0x1, v23;
	v39 =	vshll.u32 v25, $0x1;
	v43 =	vshrl.u32 v25, $0xD  }
0x94: {  	[tilespmem:$0x280] =	vst v17;
	v17 =	vand.u32 $0x3FFE, v44;
	v46 =	vand.u32 $0xFFFFC000, v28;
	v50 =	vshll.u32 v40, $0x1  }
0x95: {  	[tilespmem:$0x270] =	vst v16;
	v63 =	vld [tilespmem:$0x190];
	v44 =	vand.u32 $0xFFFFC000, v33;
	v6 =	vor.u32 v42, v41;
	v7 =	vor.u32 v7, v10  }
0x96: {  	[tilespmem:$0x70] =	vst v14;
	v10 =	vand.u32 $0x1, v54;
	v14 =	vand.u32 $0x3FFE, v24;
	v15 =	vand.u32 $0x1, v15  }
0x97: {  	[tilespmem:$0x90] =	vst v19;
	v41 =	vand.u32 $0x3FFE, v39;
	v42 =	vand.u32 $0xFFFFC000, v25;
	v17 =	vor.u32 v46, v17  }
0x98: {  	[tilespmem:$0xA0] =	vst v20;
	v45 =	vld [tilespmem:$0x1B0];
	v51 =	vand.u32 $0x3FFE, v50;
	v46 =	vshll.u32 v35, $0x1;
	v50 =	vshrl.u32 v35, $0xD  }
0x99: {  	[tilespmem:$0xE0] =	vst v27;
	v47 =	vld [tilespmem:$0x3B0];
	v6 =	vor.u32 v8, v6;
	v8 =	vand.u32 $0x3FFE, v48;
	v14 =	vor.u32 v26, v14  }
0x9a: {  	[tilespmem:$0xF0] =	vst v31;
	v56 =	vld [tilespmem:$0x1C0];
	v36 =	vshll.u32 v63, $0x1;
	v37 =	vand.u32 $0xFFFFC000, v63;
	v16 =	vshrl.u32 v63, $0xD  }
0x9b: {  	[tilespmem:$0x2F0] =	vst v30;
	v8 =	vor.u32 v49, v8;
	v38 =	vand.u32 $0x1, v16;
	v16 =	vand.u32 $0x1, v43  }
0x9c: {  	[tilespmem:$0x2E0] =	vst v29;
	v49 =	vor.u32 v18, v17;
	v8 =	vor.u32 v9, v8;
	v9 =	vor.u32 v53, v52  }
0x9d: {  	[tilespmem:$0x300] =	vst v34;
	v52 =	vand.u32 $0xFFFFC000, v40;
	v53 =	vshrl.u32 v40, $0xD;
	v55 =	vshll.u32 v45, $0x1  }
0x9e: {  	[tilespmem:$0x100] =	vst v32;
	v58 =	vand.u32 $0xFFFFC000, v45;
	v62 =	vand.u32 $0xFFFFC000, v47;
	v63 =	vshrl.u32 v47, $0xD  }
0x9f: {  	[tilespmem:$0x130] =	vst v2;
	v28 =	vld [tilespmem:$0x3D0];
	v23 =	vshll.u32 v56, $0x1;
	v24 =	vand.u32 $0xFFFFC000, v56;
	v25 =	vshrl.u32 v56, $0xD  }
0xa0: {  	[tilespmem:$0x1A0] =	vst v49;
	v40 =	vshll.u32 v33, $0x1;
	v49 =	vand.u32 $0xFFFFC000, v35;
	v9 =	vor.u32 v10, v9  }
0xa1: {  	[tilespmem:$0x320] =	vst v0;
	v10 =	vor.u32 v12, v11;
	v11 =	vand.u32 $0x3FFE, v59;
	v12 =	vor.u32 v22, v21  }
0xa2: {  	[tilespmem:$0x330] =	vst v4;
	v0 =	vor.u32 v52, v51;
	v54 =	vand.u32 $0x1, v53;
	v57 =	vand.u32 $0x3FFE, v55  }
0xa3: {  	[tilespmem:$0x120] =	vst v1;
	v59 =	vshrl.u32 v45, $0xD;
	v20 =	vand.u32 $0x1, v63;
	v26 =	vand.u32 $0x1, v25  }
0xa4: {  	[tilespmem:$0x160] =	vst v8;
	v8 =	vshrl.u32 v28, $0xD;
	v43 =	vand.u32 $0x3FFE, v40;
	v45 =	vshrl.u32 v33, $0xD  }
0xa5: {  	[tilespmem:$0x140] =	vst v3;
	v51 =	vand.u32 $0x1, v50;
	v11 =	vor.u32 v60, v11;
	v12 =	vor.u32 v13, v12  }
0xa6: {  	[tilespmem:$0x340] =	vst v5;
	v13 =	vor.u32 v15, v14;
	v14 =	vand.u32 $0x3FFE, v36;
	v15 =	vor.u32 v42, v41  }
0xa7: {  	[tilespmem:$0x350] =	vst v7;
	v0 =	vor.u32 v54, v0;
	v2 =	vor.u32 v58, v57;
	v60 =	vshll.u32 v47, $0x1  }
0xa8: {  	[tilespmem:$0x150] =	vst v6;
	v3 =	vand.u32 $0x1, v59;
	v36 =	vshll.u32 v28, $0x1;
	v39 =	vand.u32 $0x1, v8  }
0xa9: {  	v21 =	vld [tilespmem:$0x1D0];
	[tilespmem:$0x360] =	vst v9;
	v11 =	vor.u32 v61, v11;
	v14 =	vor.u32 v37, v14;
	v48 =	vor.u32 v16, v15  }
0xaa: {  	[tilespmem:$0x170] =	vst v10;
	v4 =	vand.u32 $0x3FFE, v60;
	v2 =	vor.u32 v3, v2;
	v37 =	vand.u32 $0x3FFE, v36  }
0xab: {  	v14 =	vor.u32 v38, v14;
	v4 =	vor.u32 v62, v4;
	[tilespmem:$0x390] =	vst v48;
	v38 =	vand.u32 $0xFFFFC000, v28  }
0xac: {  	v41 =	vld [tilespmem:$0x1F0];
	[tilespmem:$0x1B0] =	vst v2;
	v48 =	vand.u32 $0x3FFE, v46;
	v2 =	vand.u32 $0x1, v45;
	v22 =	vor.u32 v20, v4  }
0xad: {  	v47 =	vld [tilespmem:$0x3F0];
	[tilespmem:$0x180] =	vst v12;
	v4 =	vand.u32 $0x3FFE, v23;
	v1 =	vor.u32 v38, v37;
	v3 =	vor.u32 v49, v48  }
0xae: {  	v61 =	vld [tilespmem:$0x3C0];
	[tilespmem:$0x380] =	vst v13;
	v4 =	vor.u32 v24, v4;
	v32 =	vshll.u32 v21, $0x1;
	v34 =	vand.u32 $0xFFFFC000, v21  }
0xaf: {  	[tilespmem:$0x3A0] =	vst v0;
	v6 =	vshrl.u32 v21, $0xD;
	v42 =	vor.u32 v39, v1;
	v1 =	vor.u32 v44, v43  }
0xb0: {  	[tilespmem:$0x370] =	vst v11;
	v52 =	vor.u32 v51, v3;
	v4 =	vor.u32 v26, v4;
	v9 =	vand.u32 $0x3FFE, v32  }
0xb1: {  	[tilespmem:$0x190] =	vst v14;
	v6 =	vand.u32 $0x1, v6;
	v1 =	vor.u32 v2, v1;
	v53 =	vshll.u32 v41, $0x1  }
0xb2: {  	[tilespmem:$0x3B0] =	vst v22;
	v54 =	vand.u32 $0xFFFFC000, v41;
	v55 =	vshrl.u32 v41, $0xD;
	v58 =	vshll.u32 v47, $0x1  }
0xb3: {  	[tilespmem:$0x3D0] =	vst v42;
	v60 =	vand.u32 $0xFFFFC000, v47;
	v27 =	vshll.u32 v61, $0x1;
	v30 =	vand.u32 $0xFFFFC000, v61  }
0xb4: {  	[tilespmem:$0x3E0] =	vst v52;
	v31 =	vshrl.u32 v61, $0xD;
	v9 =	vor.u32 v34, v9;
	v3 =	vand.u32 $0x3FFE, v53  }
0xb5: {  	[tilespmem:$0x1C0] =	vst v4;
	v57 =	vand.u32 $0x1, v55;
	v59 =	vand.u32 $0x3FFE, v58;
	v61 =	vshrl.u32 v47, $0xD  }
0xb6: {  	[tilespmem:$0x1E0] =	vst v1;
	v29 =	vand.u32 $0x3FFE, v27;
	v6 =	vor.u32 v6, v9;
	v56 =	vor.u32 v54, v3  }
0xb7: {  	v1 =	vor.u32 v60, v59;
	v62 =	vand.u32 $0x1, v61;
	[tilespmem:$0x1D0] =	vst v6;
	v0 =	vor.u32 v57, v56  }
0xb8: {  	v7 =	vand.u32 $0x1, v31;
	v5 =	vor.u32 v30, v29;
	v63 =	vor.u32 v62, v1;
	[tilespmem:$0x1F0] =	vst v0  }
0xb9: {  	v5 =	vor.u32 v7, v5;
	[tilespmem:$0x3F0] =	vst v63  }
0xba: {  	[tilespmem:$0x3C0] =	vst v5  }
0xbb: {  	[tilespmem:s15], [sflag:$0x1] =	stream.indirect.gather [hbm4b:s3+s13], $0x40, s2, s13, $0xb8;
	[tilespmem:$0x18600] =	vst v63  }
0xbc: {  	_ = 	snop  }
0xbd: {  	[tilespmem:s16], [sflag:$0x2] =	stream.indirect.gather [hbm4b:s3+s13], $0x40, s13, s13, $0xb8;
	[tilespmem:$0x18600] =	vst v63  }
0xbe: {  	_ = 	snop  }
0xbf: {  	[tilespmem:s17], [sflag:$0x3] =	stream.indirect.gather [hbm4b:s4+s13], $0x40, s14, s13, $0xb8;
	[tilespmem:$0x18600] =	vst v63  }
0xc0: {  	_ =	swait.ge [sflag:s18], $0x8000  }
0xc1: {  	[sflag:s18] =	ssyncset.done $0x0  }
0xc2: {  	[sflag:s18] =	ssyncadd.s32 $0xFFFF8000  }
0xc3: {  	[hbm4b:s8+s2] =	stream.linear.scatter [tilespmem:s15], [sflag:$0x4], $0x8000, $0x38;
	[tilespmem:$0x18600] =	vst v63  }
0xc4: {  	_ =	swait.ge [sflag:s12], $0x8000  }
0xc5: {  	[sflag:s12] =	ssyncset.done $0x0  }
0xc6: {  	[sflag:s12] =	ssyncadd.s32 $0xFFFF8000  }
0xc7: {  	_ =	swait.ge [sflag:s19], $0x8000  }
0xc8: {  	[sflag:s19] =	ssyncset.done $0x0  }
0xc9: {  	[sflag:s19] =	ssyncadd.s32 $0xFFFF8000  }
0xca: {  	[hbm4b:s9+s2] =	stream.linear.scatter [tilespmem:s16], [sflag:$0x4], $0x8000, $0x38;
	[tilespmem:$0x18600] =	vst v63  }
0xcb: {  	_ =	swait.ge [sflag:s12], $0x8000  }
0xcc: {  	[sflag:s12] =	ssyncset.done $0x0  }
0xcd: {  	[sflag:s12] =	ssyncadd.s32 $0xFFFF8000  }
0xce: {  	_ =	swait.ge [sflag:s20], $0x8000  }
0xcf: {  	p0 =	sne.s32 s11, $0x1;
	[sflag:s20] =	ssyncset.done $0x0  }
.Ltmp0:
0xd0: {  	[sflag:s20] =	ssyncadd.s32 $0xFFFF8000;
	(pc) =	sbr.rel @p0 .LBB2_1-.Ltmp0, $4  }
0xd1: {  	[hbm4b:s10+s2] =	stream.linear.scatter [tilespmem:s17], [sflag:$0x4], $0x8000, $0x38;
	[tilespmem:$0x18600] =	vst v63  }
0xd2: {  	_ =	swait.ge [sflag:s12], $0x8000  }
0xd3: {  	[sflag:s12] =	ssyncset.done $0x0  }
0xd4: {  	s11 =	sadd.s32 $0xFFFFFFFF, s11;
	[sflag:s12] =	ssyncadd.s32 $0xFFFF8000  }
0xd5: {  	_ =	sfence.sel $0x180000  }
0xd6: {  	[bflag:$0x0] =	sbarrier.arrive $0xFFFF  }
0xd7: {  	p0 =	sne.s32 s1, $0x0;
	_ =	strace $0x90000047  }
0xd8: {  	s0 =	sadd.s32 @!p0 $0x100000, s0;
	[bflag:$0x2] =	sbarrier.arrive $0xFFFF  }
0xd9: {  	[sflag:s0] =	ssyncadd.tile.s32 @!p0 $0x1;
	_ =	shalt  }
.Lfunc_end2:
_tile_overlayer_lowered:
.L_overlay_start_2:
0xda: {  	(tag) =	ssettag $0x2  }
0xdb: {  	s0 =	rddreg [dreg:$0x0];
	s2 =	stileid.u32  }
0xdc: {  	s1 =	rddreg [dreg:$0x1];
	p0 =	sne.s32 s2, $0x0  }
0xdd: {  	s3 =	rddreg [dreg:$0x2];
	[bflag:$0x3] =	sbarrier.arrive $0xFFFF;
	s2 =	simm.s32 @!p0 $0x1C04  }
0xde: {  	[timem:s3], [sflag:s2] =	dma.local @!p0 [hbm:s0], s1  }
0xdf: {  	s0 =	simm.s32 @!p0 $0x4  }
0xe0: {  	_ =	swait.ge @!p0 [sflag:s0], s1  }
0xe1: {  	s1 =	ssub.s32 @!p0 $0x0, s1;
	[sflag:s0] =	ssyncset.done @!p0 $0x0  }
0xe2: {  	[sflag:s0] =	ssyncadd.s32 @!p0 s1  }
0xe3: {  	[bflag:$0x3] =	sbarrier.arrive $0xFFFF  }
0xe4: {  	_ =	shalt  }

</sc_bundles>
